<compile_context>
chip_gen: v7x
topology: tpu7x:2x2x1
jax: 0.10.2.dev20260603
libtpu: 0.0.44.dev20260713+nightly
codegen_flags: <defaults>
</compile_context>

<pallas_src>
import functools

import jax
import jax.numpy as jnp
from jax import lax
from jax.experimental import pallas as pl
from jax.experimental.pallas import tpu as pltpu
from jax.experimental.pallas import tpu_sc as plsc

B = 16
N = 16384
H = N // 2
NPOINT = 512
L = 16
UNROLL = 8
GROUP = L * UNROLL
STEPS = H // GROUP
BIG_I32 = 2**31 - 1
NEG_HUGE = -3.4e38


def _fps_body(x_hbm, y_hbm, z_hbm, idx_hbm, x_v, y_v, z_v, t_v, i_v,
              msg_v, rcv_v, shr, cnt):
    c = lax.axis_index("c")
    s = lax.axis_index("s")
    b = c * 8 + s // 2
    half = s % 2
    partner = s ^ 1
    off = half * H

    cnt[0] = jnp.int32(0)

    pltpu.sync_copy(x_hbm.at[b, pl.ds(off, H)], x_v.at[pl.ds(0, H)])
    pltpu.sync_copy(y_hbm.at[b, pl.ds(off, H)], y_v.at[pl.ds(0, H)])
    pltpu.sync_copy(z_hbm.at[b, pl.ds(off, H)], z_v.at[pl.ds(0, H)])

    lanes = lax.iota(jnp.int32, L)
    neg = jnp.full((L,), -1e10, jnp.float32)
    pos = jnp.full((L,), 1e10, jnp.float32)
    zero = jnp.zeros((L,), jnp.float32)

    for k in range(UNROLL):
        sl = pl.ds(H + k * L, L)
        x_v[sl] = zero
        y_v[sl] = zero
        z_v[sl] = zero
        t_v[sl] = zero

    def init_body(j, carry):
        sl = pl.ds(j * L, L)
        xs = x_v[sl]
        ys = y_v[sl]
        zs = z_v[sl]
        mag = xs * xs + ys * ys + zs * zs
        t_v[sl] = jnp.where(mag <= 0.001, neg, pos)
        return carry

    lax.fori_loop(0, H // L, init_body, 0)

    pltpu.sync_copy(x_hbm.at[b, pl.ds(0, L)], msg_v)
    cx0 = msg_v[...][0]
    pltpu.sync_copy(y_hbm.at[b, pl.ds(0, L)], msg_v)
    cy0 = msg_v[...][0]
    pltpu.sync_copy(z_hbm.at[b, pl.ds(0, L)], msg_v)
    cz0 = msg_v[...][0]

    def ld_group(g):
        base = g * GROUP
        return tuple(
            r[pl.ds(base + k * L, L)]
            for r in (x_v, y_v, z_v)
            for k in range(UNROLL))

    def outer(gi, t, carry):
        cxs, cys, czs, farg, vec = carry
        vec = jnp.where(lanes == t, jnp.full((L,), farg, jnp.int32), vec)

        def inner(j, icarry):
            m, mi, cur = icarry
            nxt = ld_group(j + 1)
            base = j * GROUP
            for k in range(UNROLL):
                sl = pl.ds(base + k * L, L)
                dx = cur[k] - cxs
                dy = cur[UNROLL + k] - cys
                dz = cur[2 * UNROLL + k] - czs
                d = dx * dx + dy * dy + dz * dz
                t2 = jnp.minimum(t_v[sl], d)
                t_v[sl] = t2
                gt = t2 > m
                m = jnp.where(gt, t2, m)
                mi = jnp.where(gt, base + k * L + lanes, mi)
            return m, mi, nxt

        m0 = jnp.full((L,), NEG_HUGE, jnp.float32)
        mi0 = jnp.zeros((L,), jnp.int32)
        m, mi, _ = lax.fori_loop(
            0, STEPS, inner, (m0, mi0, ld_group(0)))

        mx = jnp.max(m)
        lmin = jnp.min(jnp.where(m == mx, mi, BIG_I32))
        gidx = lmin + off
        win = mi == lmin
        nh = jnp.full((L,), NEG_HUGE, jnp.float32)
        px = jnp.max(jnp.where(win, plsc.load_gather(x_v, [mi]), nh))
        py = jnp.max(jnp.where(win, plsc.load_gather(y_v, [mi]), nh))
        pz = jnp.max(jnp.where(win, plsc.load_gather(z_v, [mi]), nh))

        par = gi % 2
        gf = plsc.bitcast(jnp.full((L,), gidx, jnp.int32), jnp.float32)
        msg = jnp.where(lanes == 0, jnp.full((L,), mx, jnp.float32),
              jnp.where(lanes == 1, gf,
              jnp.where(lanes == 2, jnp.full((L,), px, jnp.float32),
              jnp.where(lanes == 3, jnp.full((L,), py, jnp.float32),
                        jnp.full((L,), pz, jnp.float32)))))
        msg_v[...] = msg
        pltpu.sync_copy(msg_v, shr.at[pl.ds(par * (16 * L) + s * L, L)])
        plsc.fetch_and_add(cnt.at[0], jnp.int32(1), subcore_id=partner)

        lax.while_loop(
            lambda v: v <= gi,
            lambda v: plsc.fetch_and_add(cnt.at[0], jnp.int32(0),
                                         subcore_id=s),
            jnp.int32(0))

        pltpu.sync_copy(shr.at[pl.ds(par * (16 * L) + partner * L, L)],
                        rcv_v)
        r = rcv_v[...]
        ri = plsc.bitcast(r, jnp.int32)

        m2 = r[0]
        g2 = ri[1]
        take2 = (m2 > mx) | ((m2 == mx) & (g2 < gidx))
        farg2 = jnp.where(take2, g2, gidx)
        cx2 = jnp.full((L,), jnp.where(take2, r[2], px), jnp.float32)
        cy2 = jnp.full((L,), jnp.where(take2, r[3], py), jnp.float32)
        cz2 = jnp.full((L,), jnp.where(take2, r[4], pz), jnp.float32)
        return cx2, cy2, cz2, farg2, vec

    def blk_body(blk, carry):
        cxs, cys, czs, farg = carry

        def sub(t, sc):
            return outer(blk * L + t, t, sc)

        cxs, cys, czs, farg, vec = lax.fori_loop(
            0, L, sub,
            (cxs, cys, czs, farg, jnp.zeros((L,), jnp.int32)))

        @pl.when(half == 0)
        def _():
            i_v[pl.ds(blk * L, L)] = vec

        return cxs, cys, czs, farg

    carry0 = (jnp.full((L,), cx0, jnp.float32),
              jnp.full((L,), cy0, jnp.float32),
              jnp.full((L,), cz0, jnp.float32),
              jnp.int32(0))
    lax.fori_loop(0, NPOINT // L, blk_body, carry0)

    @pl.when(half == 0)
    def _():
        pltpu.sync_copy(i_v, idx_hbm.at[b])


_fps = functools.partial(
    pl.kernel,
    out_type=jax.ShapeDtypeStruct((B, NPOINT), jnp.int32),
    mesh=plsc.VectorSubcoreMesh(core_axis_name="c", subcore_axis_name="s"),
    compiler_params=pltpu.CompilerParams(needs_layout_passes=False),
    scratch_types=[
        pltpu.VMEM((H + GROUP,), jnp.float32),
        pltpu.VMEM((H + GROUP,), jnp.float32),
        pltpu.VMEM((H + GROUP,), jnp.float32),
        pltpu.VMEM((H + GROUP,), jnp.float32),
        pltpu.VMEM((NPOINT,), jnp.int32),
        pltpu.VMEM((L,), jnp.float32),
        pltpu.VMEM((L,), jnp.float32),
        pltpu.VMEM_SHARED((2 * 16 * L,), jnp.float32),
        pltpu.SMEM((1,), jnp.int32),
    ],
)(_fps_body)


def kernel(xyz, npoint):
    del npoint
    x = xyz[:, :, 0]
    y = xyz[:, :, 1]
    z = xyz[:, :, 2]
    return _fps(x, y, z)

# --- scband reference (transcript-rebuilt; emitter-appended) ---
"""Pipeline reference for scband-furthest-point-sampling-3315714753178 (READ-ONLY COPY).

The authoritative reference and input builder live on the scoring server;
editing this copy changes nothing except your own understanding.
"""

import jax, jax.numpy as jnp
import numpy as np


def furthest_point_sampling(xyz, npoint):
    B, N, _ = xyz.shape
    npoint_static = 512
    mag = jnp.sum(xyz ** 2, axis=-1)  # (B, N)
    idx0 = jnp.zeros((B, npoint_static), dtype=jnp.int32)
    temp0 = jnp.full((B, N), 1e10, dtype=xyz.dtype)
    far0 = jnp.zeros((B,), dtype=jnp.int32) + jnp.asarray(npoint, dtype=jnp.int32) * 0
    batch_indices = jnp.arange(B)

    def body(i, state):
        idx, temp, farthest = state
        idx = idx.at[:, i].set(farthest)
        centroid = xyz[batch_indices, farthest, :]  # (B, 3)
        dist = jnp.sum((xyz - centroid[:, None, :]) ** 2, axis=-1)  # (B, N)
        dist = jnp.where(mag <= 0.001, jnp.asarray(-1e10, dtype=xyz.dtype), dist)
        temp = jnp.minimum(temp, dist)
        farthest = jnp.argmax(temp, axis=-1).astype(jnp.int32)
        return (idx, temp, farthest)

    idx, temp, farthest = jax.lax.fori_loop(0, npoint_static, body, (idx0, temp0, far0))
    return idx


def setup_inputs(seed: int = 0) -> dict:
    key = jax.random.key(seed)
    xyz = jax.random.normal(key, (16, 16384, 3), dtype=jnp.float32)
    return {"xyz": xyz, "npoint": 512}


def reference(xyz, npoint):
    return furthest_point_sampling(xyz, npoint)

if __name__ == "__main__":
    import jax
    _d = setup_inputs()
    print(jax.jit(kernel)(*tuple(_d.values())))

</pallas_src>

<mosaic_0001>
#map = affine_map<(d0, d1) -> (0, 0)>
module attributes {stable_mosaic.version = 14 : i64} {
  func.func @_fps_body(%arg0: i32, %arg1: i32, %arg2: memref<16x16384xf32, #tpu.memory_space<hbm>>, %arg3: memref<16x16384xf32, #tpu.memory_space<hbm>>, %arg4: memref<16x16384xf32, #tpu.memory_space<hbm>>, %arg5: memref<16x512xi32, #tpu.memory_space<hbm>>, %arg6: memref<8320xf32, #tpu.memory_space<vmem>>, %arg7: memref<8320xf32, #tpu.memory_space<vmem>>, %arg8: memref<8320xf32, #tpu.memory_space<vmem>>, %arg9: memref<8320xf32, #tpu.memory_space<vmem>>, %arg10: memref<512xi32, #tpu.memory_space<vmem>>, %arg11: memref<16xf32, #tpu.memory_space<vmem>>, %arg12: memref<16xf32, #tpu.memory_space<vmem>>, %arg13: memref<512xf32, #tpu.memory_space<vmem_shared>>, %arg14: memref<1xi32, #tpu.memory_space<smem>>) attributes {dimension_semantics = [#tpu.dimension_semantics<core_parallel>, #tpu.dimension_semantics<subcore_parallel>], iteration_bounds = array<i64: 2, 16>, scalar_prefetch = 0 : i64, scratch_operands = 9 : i64, tpu.core_type = #tpu.core_type<sc_vector_subcore>, window_params = [{transform_indices = #map}, {transform_indices = #map}, {transform_indices = #map}, {transform_indices = #map}]} {
    %mul3A = arith.constant 8 : i32
    %mul3A_0 = arith.muli %arg0, %mul3A : i32
    %jit3A = arith.constant 2 : i32
    %div3A = arith.divsi %arg1, %jit3A : i32
    %sign3A = arith.constant 0 : i32
    %sign3A_1 = arith.cmpi sgt, %arg1, %sign3A : i32
    %sign3A_2 = arith.extui %sign3A_1 : i1 to i32
    %sign3A_3 = arith.constant 0 : i32
    %sign3A_4 = arith.cmpi slt, %arg1, %sign3A_3 : i32
    %sign3A_5 = arith.extui %sign3A_4 : i1 to i32
    %sign3A_6 = arith.subi %sign3A_2, %sign3A_5 : i32
    %sign3A_7 = arith.constant 0 : i32
    %sign3A_8 = arith.cmpi sgt, %jit3A, %sign3A_7 : i32
    %sign3A_9 = arith.extui %sign3A_8 : i1 to i32
    %sign3A_10 = arith.constant 0 : i32
    %sign3A_11 = arith.cmpi slt, %jit3A, %sign3A_10 : i32
    %sign3A_12 = arith.extui %sign3A_11 : i1 to i32
    %sign3A_13 = arith.subi %sign3A_9, %sign3A_12 : i32
    %ne3A = arith.cmpi ne, %sign3A_6, %sign3A_13 : i32
    %rem3A = arith.remsi %arg1, %jit3A : i32
    %ne3A_14 = arith.constant 0 : i32
    %ne3A_15 = arith.cmpi ne, %rem3A, %ne3A_14 : i32
    %and3A = arith.andi %ne3A, %ne3A_15 : i1
    %sub3A = arith.constant 1 : i32
    %sub3A_16 = arith.subi %div3A, %sub3A : i32
    %select_n3A = arith.select %and3A, %sub3A_16, %div3A : i32
    %add3A = arith.addi %mul3A_0, %select_n3A : i32
    %jit3A_17 = arith.constant 2 : i32
    %eq3A = arith.constant 0 : i32
    %eq3A_18 = arith.cmpi eq, %jit3A_17, %eq3A : i32
    %jit3A_19 = arith.constant 1 : i32
    %select_n3A_20 = arith.select %eq3A_18, %jit3A_19, %jit3A_17 : i32
    %rem3A_21 = arith.remsi %arg1, %select_n3A_20 : i32
    %ne3A_22 = arith.constant 0 : i32
    %ne3A_23 = arith.cmpi ne, %rem3A_21, %ne3A_22 : i32
    %lt3A = arith.constant 0 : i32
    %lt3A_24 = arith.cmpi slt, %rem3A_21, %lt3A : i32
    %lt3A_25 = arith.constant 0 : i32
    %lt3A_26 = arith.cmpi slt, %select_n3A_20, %lt3A_25 : i32
    %ne3A_27 = arith.xori %lt3A_24, %lt3A_26 : i1
    %and3A_28 = arith.andi %ne3A_27, %ne3A_23 : i1
    %add3A_29 = arith.addi %rem3A_21, %select_n3A_20 : i32
    %select_n3A_30 = arith.select %and3A_28, %add3A_29, %rem3A_21 : i32
    %xor3A = arith.constant 1 : i32
    %xor3A_31 = arith.xori %arg1, %xor3A : i32
    %mul3A_32 = arith.constant 8192 : i32
    %mul3A_33 = arith.muli %select_n3A_30, %mul3A_32 : i32
    %swap3A = arith.constant 0 : i32
    %swap3A_34 = arith.constant 0 : i32
    %swap3A_35 = arith.index_cast %swap3A_34 : i32 to index
    %swap3A_36 = memref.load %arg14[%swap3A_35] : memref<1xi32, #tpu.memory_space<smem>>
    memref.store %swap3A, %arg14[%swap3A_35] : memref<1xi32, #tpu.memory_space<smem>>
    "tpu.region"() ({
      %run_scoped3A = tpu.sem_alloc : memref<!tpu.dma_semaphore, #tpu.memory_space<semaphore_mem>>
      %dma_start3A = arith.constant 0 : i32
      %dma_start3A_133 = tpu.memref_slice %arg6[%dma_start3A] : memref<8320xf32, #tpu.memory_space<vmem>> -> memref<8192xf32, #tpu.memory_space<vmem>>
      %dma_start3A_134 = tpu.memref_slice %arg2[%add3A, %mul3A_33] : memref<16x16384xf32, #tpu.memory_space<hbm>> -> memref<1x8192xf32, #tpu.memory_space<hbm>>
      %dma_start3A_135 = tpu.memref_squeeze %dma_start3A_134 : memref<1x8192xf32, #tpu.memory_space<hbm>> -> memref<8192xf32, #tpu.memory_space<hbm>>
      %dma_start3A_136 = arith.constant 0 : i32
      %dma_start3A_137 = tpu.memref_slice %arg6[%dma_start3A_136] : memref<8320xf32, #tpu.memory_space<vmem>> -> memref<8192xf32, #tpu.memory_space<vmem>>
      %dma_start3A_138 = tpu.memref_slice %arg2[%add3A, %mul3A_33] : memref<16x16384xf32, #tpu.memory_space<hbm>> -> memref<1x8192xf32, #tpu.memory_space<hbm>>
      %dma_start3A_139 = tpu.memref_squeeze %dma_start3A_138 : memref<1x8192xf32, #tpu.memory_space<hbm>> -> memref<8192xf32, #tpu.memory_space<hbm>>
      tpu.enqueue_dma source(%dma_start3A_139 : memref<8192xf32, #tpu.memory_space<hbm>>) target(%dma_start3A_137 : memref<8192xf32, #tpu.memory_space<vmem>>) target_semaphore(%run_scoped3A : memref<!tpu.dma_semaphore, #tpu.memory_space<semaphore_mem>>)
      %dma_wait3A = arith.constant 0 : i32
      %dma_wait3A_140 = tpu.memref_slice %arg6[%dma_wait3A] : memref<8320xf32, #tpu.memory_space<vmem>> -> memref<8192xf32, #tpu.memory_space<vmem>>
      %dma_wait3A_141 = tpu.memref_slice %arg2[%add3A, %mul3A_33] : memref<16x16384xf32, #tpu.memory_space<hbm>> -> memref<1x8192xf32, #tpu.memory_space<hbm>>
      %dma_wait3A_142 = tpu.memref_squeeze %dma_wait3A_141 : memref<1x8192xf32, #tpu.memory_space<hbm>> -> memref<8192xf32, #tpu.memory_space<hbm>>
      %dma_wait3A_143 = arith.constant 0 : i32
      %dma_wait3A_144 = tpu.memref_slice %arg6[%dma_wait3A_143] : memref<8320xf32, #tpu.memory_space<vmem>> -> memref<8192xf32, #tpu.memory_space<vmem>>
      %dma_wait3A_145 = tpu.memref_slice %arg2[%add3A, %mul3A_33] : memref<16x16384xf32, #tpu.memory_space<hbm>> -> memref<1x8192xf32, #tpu.memory_space<hbm>>
      %dma_wait3A_146 = tpu.memref_squeeze %dma_wait3A_145 : memref<1x8192xf32, #tpu.memory_space<hbm>> -> memref<8192xf32, #tpu.memory_space<hbm>>
      tpu.wait_dma2 semaphore(%run_scoped3A : memref<!tpu.dma_semaphore, #tpu.memory_space<semaphore_mem>>) src(%dma_wait3A_146 : memref<8192xf32, #tpu.memory_space<hbm>>) dst(%dma_wait3A_144 : memref<8192xf32, #tpu.memory_space<vmem>>)
      tpu.yield
    }) : () -> ()
    "tpu.region"() ({
      %run_scoped3A = tpu.sem_alloc : memref<!tpu.dma_semaphore, #tpu.memory_space<semaphore_mem>>
      %dma_start3A = arith.constant 0 : i32
      %dma_start3A_133 = tpu.memref_slice %arg7[%dma_start3A] : memref<8320xf32, #tpu.memory_space<vmem>> -> memref<8192xf32, #tpu.memory_space<vmem>>
      %dma_start3A_134 = tpu.memref_slice %arg3[%add3A, %mul3A_33] : memref<16x16384xf32, #tpu.memory_space<hbm>> -> memref<1x8192xf32, #tpu.memory_space<hbm>>
      %dma_start3A_135 = tpu.memref_squeeze %dma_start3A_134 : memref<1x8192xf32, #tpu.memory_space<hbm>> -> memref<8192xf32, #tpu.memory_space<hbm>>
      %dma_start3A_136 = arith.constant 0 : i32
      %dma_start3A_137 = tpu.memref_slice %arg7[%dma_start3A_136] : memref<8320xf32, #tpu.memory_space<vmem>> -> memref<8192xf32, #tpu.memory_space<vmem>>
      %dma_start3A_138 = tpu.memref_slice %arg3[%add3A, %mul3A_33] : memref<16x16384xf32, #tpu.memory_space<hbm>> -> memref<1x8192xf32, #tpu.memory_space<hbm>>
      %dma_start3A_139 = tpu.memref_squeeze %dma_start3A_138 : memref<1x8192xf32, #tpu.memory_space<hbm>> -> memref<8192xf32, #tpu.memory_space<hbm>>
      tpu.enqueue_dma source(%dma_start3A_139 : memref<8192xf32, #tpu.memory_space<hbm>>) target(%dma_start3A_137 : memref<8192xf32, #tpu.memory_space<vmem>>) target_semaphore(%run_scoped3A : memref<!tpu.dma_semaphore, #tpu.memory_space<semaphore_mem>>)
      %dma_wait3A = arith.constant 0 : i32
      %dma_wait3A_140 = tpu.memref_slice %arg7[%dma_wait3A] : memref<8320xf32, #tpu.memory_space<vmem>> -> memref<8192xf32, #tpu.memory_space<vmem>>
      %dma_wait3A_141 = tpu.memref_slice %arg3[%add3A, %mul3A_33] : memref<16x16384xf32, #tpu.memory_space<hbm>> -> memref<1x8192xf32, #tpu.memory_space<hbm>>
      %dma_wait3A_142 = tpu.memref_squeeze %dma_wait3A_141 : memref<1x8192xf32, #tpu.memory_space<hbm>> -> memref<8192xf32, #tpu.memory_space<hbm>>
      %dma_wait3A_143 = arith.constant 0 : i32
      %dma_wait3A_144 = tpu.memref_slice %arg7[%dma_wait3A_143] : memref<8320xf32, #tpu.memory_space<vmem>> -> memref<8192xf32, #tpu.memory_space<vmem>>
      %dma_wait3A_145 = tpu.memref_slice %arg3[%add3A, %mul3A_33] : memref<16x16384xf32, #tpu.memory_space<hbm>> -> memref<1x8192xf32, #tpu.memory_space<hbm>>
      %dma_wait3A_146 = tpu.memref_squeeze %dma_wait3A_145 : memref<1x8192xf32, #tpu.memory_space<hbm>> -> memref<8192xf32, #tpu.memory_space<hbm>>
      tpu.wait_dma2 semaphore(%run_scoped3A : memref<!tpu.dma_semaphore, #tpu.memory_space<semaphore_mem>>) src(%dma_wait3A_146 : memref<8192xf32, #tpu.memory_space<hbm>>) dst(%dma_wait3A_144 : memref<8192xf32, #tpu.memory_space<vmem>>)
      tpu.yield
    }) : () -> ()
    "tpu.region"() ({
      %run_scoped3A = tpu.sem_alloc : memref<!tpu.dma_semaphore, #tpu.memory_space<semaphore_mem>>
      %dma_start3A = arith.constant 0 : i32
      %dma_start3A_133 = tpu.memref_slice %arg8[%dma_start3A] : memref<8320xf32, #tpu.memory_space<vmem>> -> memref<8192xf32, #tpu.memory_space<vmem>>
      %dma_start3A_134 = tpu.memref_slice %arg4[%add3A, %mul3A_33] : memref<16x16384xf32, #tpu.memory_space<hbm>> -> memref<1x8192xf32, #tpu.memory_space<hbm>>
      %dma_start3A_135 = tpu.memref_squeeze %dma_start3A_134 : memref<1x8192xf32, #tpu.memory_space<hbm>> -> memref<8192xf32, #tpu.memory_space<hbm>>
      %dma_start3A_136 = arith.constant 0 : i32
      %dma_start3A_137 = tpu.memref_slice %arg8[%dma_start3A_136] : memref<8320xf32, #tpu.memory_space<vmem>> -> memref<8192xf32, #tpu.memory_space<vmem>>
      %dma_start3A_138 = tpu.memref_slice %arg4[%add3A, %mul3A_33] : memref<16x16384xf32, #tpu.memory_space<hbm>> -> memref<1x8192xf32, #tpu.memory_space<hbm>>
      %dma_start3A_139 = tpu.memref_squeeze %dma_start3A_138 : memref<1x8192xf32, #tpu.memory_space<hbm>> -> memref<8192xf32, #tpu.memory_space<hbm>>
      tpu.enqueue_dma source(%dma_start3A_139 : memref<8192xf32, #tpu.memory_space<hbm>>) target(%dma_start3A_137 : memref<8192xf32, #tpu.memory_space<vmem>>) target_semaphore(%run_scoped3A : memref<!tpu.dma_semaphore, #tpu.memory_space<semaphore_mem>>)
      %dma_wait3A = arith.constant 0 : i32
      %dma_wait3A_140 = tpu.memref_slice %arg8[%dma_wait3A] : memref<8320xf32, #tpu.memory_space<vmem>> -> memref<8192xf32, #tpu.memory_space<vmem>>
      %dma_wait3A_141 = tpu.memref_slice %arg4[%add3A, %mul3A_33] : memref<16x16384xf32, #tpu.memory_space<hbm>> -> memref<1x8192xf32, #tpu.memory_space<hbm>>
      %dma_wait3A_142 = tpu.memref_squeeze %dma_wait3A_141 : memref<1x8192xf32, #tpu.memory_space<hbm>> -> memref<8192xf32, #tpu.memory_space<hbm>>
      %dma_wait3A_143 = arith.constant 0 : i32
      %dma_wait3A_144 = tpu.memref_slice %arg8[%dma_wait3A_143] : memref<8320xf32, #tpu.memory_space<vmem>> -> memref<8192xf32, #tpu.memory_space<vmem>>
      %dma_wait3A_145 = tpu.memref_slice %arg4[%add3A, %mul3A_33] : memref<16x16384xf32, #tpu.memory_space<hbm>> -> memref<1x8192xf32, #tpu.memory_space<hbm>>
      %dma_wait3A_146 = tpu.memref_squeeze %dma_wait3A_145 : memref<1x8192xf32, #tpu.memory_space<hbm>> -> memref<8192xf32, #tpu.memory_space<hbm>>
      tpu.wait_dma2 semaphore(%run_scoped3A : memref<!tpu.dma_semaphore, #tpu.memory_space<semaphore_mem>>) src(%dma_wait3A_146 : memref<8192xf32, #tpu.memory_space<hbm>>) dst(%dma_wait3A_144 : memref<8192xf32, #tpu.memory_space<vmem>>)
      tpu.yield
    }) : () -> ()
    %iota3A = tpu.iota {dimensions = array<i32: 0>} : vector<16xi32>
    %broadcast_in_dim3A = arith.constant -1.000000e+10 : f32
    %broadcast_in_dim3A_37 = vector.broadcast %broadcast_in_dim3A : f32 to vector<16xf32>
    %broadcast_in_dim3A_38 = arith.constant 1.000000e+10 : f32
    %broadcast_in_dim3A_39 = vector.broadcast %broadcast_in_dim3A_38 : f32 to vector<16xf32>
    %broadcast_in_dim3A_40 = arith.constant 0.000000e+00 : f32
    %broadcast_in_dim3A_41 = vector.broadcast %broadcast_in_dim3A_40 : f32 to vector<16xf32>
    %swap3A_42 = arith.constant 8192 : index
    %swap3A_43 = tpu.vector_load %arg6[%swap3A_42] {strides = array<i32>} : memref<8320xf32, #tpu.memory_space<vmem>>, vector<16xf32>,
    tpu.vector_store %arg6[%swap3A_42], %broadcast_in_dim3A_41 {strides = array<i32>} : memref<8320xf32, #tpu.memory_space<vmem>>, vector<16xf32>,
    %swap3A_44 = arith.constant 8192 : index
    %swap3A_45 = tpu.vector_load %arg7[%swap3A_44] {strides = array<i32>} : memref<8320xf32, #tpu.memory_space<vmem>>, vector<16xf32>,
    tpu.vector_store %arg7[%swap3A_44], %broadcast_in_dim3A_41 {strides = array<i32>} : memref<8320xf32, #tpu.memory_space<vmem>>, vector<16xf32>,
    %swap3A_46 = arith.constant 8192 : index
    %swap3A_47 = tpu.vector_load %arg8[%swap3A_46] {strides = array<i32>} : memref<8320xf32, #tpu.memory_space<vmem>>, vector<16xf32>,
    tpu.vector_store %arg8[%swap3A_46], %broadcast_in_dim3A_41 {strides = array<i32>} : memref<8320xf32, #tpu.memory_space<vmem>>, vector<16xf32>,
    %swap3A_48 = arith.constant 8192 : index
    %swap3A_49 = tpu.vector_load %arg9[%swap3A_48] {strides = array<i32>} : memref<8320xf32, #tpu.memory_space<vmem>>, vector<16xf32>,
    tpu.vector_store %arg9[%swap3A_48], %broadcast_in_dim3A_41 {strides = array<i32>} : memref<8320xf32, #tpu.memory_space<vmem>>, vector<16xf32>,
    %swap3A_50 = arith.constant 8208 : index
    %swap3A_51 = tpu.vector_load %arg6[%swap3A_50] {strides = array<i32>} : memref<8320xf32, #tpu.memory_space<vmem>>, vector<16xf32>,
    tpu.vector_store %arg6[%swap3A_50], %broadcast_in_dim3A_41 {strides = array<i32>} : memref<8320xf32, #tpu.memory_space<vmem>>, vector<16xf32>,
    %swap3A_52 = arith.constant 8208 : index
    %swap3A_53 = tpu.vector_load %arg7[%swap3A_52] {strides = array<i32>} : memref<8320xf32, #tpu.memory_space<vmem>>, vector<16xf32>,
    tpu.vector_store %arg7[%swap3A_52], %broadcast_in_dim3A_41 {strides = array<i32>} : memref<8320xf32, #tpu.memory_space<vmem>>, vector<16xf32>,
    %swap3A_54 = arith.constant 8208 : index
    %swap3A_55 = tpu.vector_load %arg8[%swap3A_54] {strides = array<i32>} : memref<8320xf32, #tpu.memory_space<vmem>>, vector<16xf32>,
    tpu.vector_store %arg8[%swap3A_54], %broadcast_in_dim3A_41 {strides = array<i32>} : memref<8320xf32, #tpu.memory_space<vmem>>, vector<16xf32>,
    %swap3A_56 = arith.constant 8208 : index
    %swap3A_57 = tpu.vector_load %arg9[%swap3A_56] {strides = array<i32>} : memref<8320xf32, #tpu.memory_space<vmem>>, vector<16xf32>,
    tpu.vector_store %arg9[%swap3A_56], %broadcast_in_dim3A_41 {strides = array<i32>} : memref<8320xf32, #tpu.memory_space<vmem>>, vector<16xf32>,
    %swap3A_58 = arith.constant 8224 : index
    %swap3A_59 = tpu.vector_load %arg6[%swap3A_58] {strides = array<i32>} : memref<8320xf32, #tpu.memory_space<vmem>>, vector<16xf32>,
    tpu.vector_store %arg6[%swap3A_58], %broadcast_in_dim3A_41 {strides = array<i32>} : memref<8320xf32, #tpu.memory_space<vmem>>, vector<16xf32>,
    %swap3A_60 = arith.constant 8224 : index
    %swap3A_61 = tpu.vector_load %arg7[%swap3A_60] {strides = array<i32>} : memref<8320xf32, #tpu.memory_space<vmem>>, vector<16xf32>,
    tpu.vector_store %arg7[%swap3A_60], %broadcast_in_dim3A_41 {strides = array<i32>} : memref<8320xf32, #tpu.memory_space<vmem>>, vector<16xf32>,
    %swap3A_62 = arith.constant 8224 : index
    %swap3A_63 = tpu.vector_load %arg8[%swap3A_62] {strides = array<i32>} : memref<8320xf32, #tpu.memory_space<vmem>>, vector<16xf32>,
    tpu.vector_store %arg8[%swap3A_62], %broadcast_in_dim3A_41 {strides = array<i32>} : memref<8320xf32, #tpu.memory_space<vmem>>, vector<16xf32>,
    %swap3A_64 = arith.constant 8224 : index
    %swap3A_65 = tpu.vector_load %arg9[%swap3A_64] {strides = array<i32>} : memref<8320xf32, #tpu.memory_space<vmem>>, vector<16xf32>,
    tpu.vector_store %arg9[%swap3A_64], %broadcast_in_dim3A_41 {strides = array<i32>} : memref<8320xf32, #tpu.memory_space<vmem>>, vector<16xf32>,
    %swap3A_66 = arith.constant 8240 : index
    %swap3A_67 = tpu.vector_load %arg6[%swap3A_66] {strides = array<i32>} : memref<8320xf32, #tpu.memory_space<vmem>>, vector<16xf32>,
    tpu.vector_store %arg6[%swap3A_66], %broadcast_in_dim3A_41 {strides = array<i32>} : memref<8320xf32, #tpu.memory_space<vmem>>, vector<16xf32>,
    %swap3A_68 = arith.constant 8240 : index
    %swap3A_69 = tpu.vector_load %arg7[%swap3A_68] {strides = array<i32>} : memref<8320xf32, #tpu.memory_space<vmem>>, vector<16xf32>,
    tpu.vector_store %arg7[%swap3A_68], %broadcast_in_dim3A_41 {strides = array<i32>} : memref<8320xf32, #tpu.memory_space<vmem>>, vector<16xf32>,
    %swap3A_70 = arith.constant 8240 : index
    %swap3A_71 = tpu.vector_load %arg8[%swap3A_70] {strides = array<i32>} : memref<8320xf32, #tpu.memory_space<vmem>>, vector<16xf32>,
    tpu.vector_store %arg8[%swap3A_70], %broadcast_in_dim3A_41 {strides = array<i32>} : memref<8320xf32, #tpu.memory_space<vmem>>, vector<16xf32>,
    %swap3A_72 = arith.constant 8240 : index
    %swap3A_73 = tpu.vector_load %arg9[%swap3A_72] {strides = array<i32>} : memref<8320xf32, #tpu.memory_space<vmem>>, vector<16xf32>,
    tpu.vector_store %arg9[%swap3A_72], %broadcast_in_dim3A_41 {strides = array<i32>} : memref<8320xf32, #tpu.memory_space<vmem>>, vector<16xf32>,
    %swap3A_74 = arith.constant 8256 : index
    %swap3A_75 = tpu.vector_load %arg6[%swap3A_74] {strides = array<i32>} : memref<8320xf32, #tpu.memory_space<vmem>>, vector<16xf32>,
    tpu.vector_store %arg6[%swap3A_74], %broadcast_in_dim3A_41 {strides = array<i32>} : memref<8320xf32, #tpu.memory_space<vmem>>, vector<16xf32>,
    %swap3A_76 = arith.constant 8256 : index
    %swap3A_77 = tpu.vector_load %arg7[%swap3A_76] {strides = array<i32>} : memref<8320xf32, #tpu.memory_space<vmem>>, vector<16xf32>,
    tpu.vector_store %arg7[%swap3A_76], %broadcast_in_dim3A_41 {strides = array<i32>} : memref<8320xf32, #tpu.memory_space<vmem>>, vector<16xf32>,
    %swap3A_78 = arith.constant 8256 : index
    %swap3A_79 = tpu.vector_load %arg8[%swap3A_78] {strides = array<i32>} : memref<8320xf32, #tpu.memory_space<vmem>>, vector<16xf32>,
    tpu.vector_store %arg8[%swap3A_78], %broadcast_in_dim3A_41 {strides = array<i32>} : memref<8320xf32, #tpu.memory_space<vmem>>, vector<16xf32>,
    %swap3A_80 = arith.constant 8256 : index
    %swap3A_81 = tpu.vector_load %arg9[%swap3A_80] {strides = array<i32>} : memref<8320xf32, #tpu.memory_space<vmem>>, vector<16xf32>,
    tpu.vector_store %arg9[%swap3A_80], %broadcast_in_dim3A_41 {strides = array<i32>} : memref<8320xf32, #tpu.memory_space<vmem>>, vector<16xf32>,
    %swap3A_82 = arith.constant 8272 : index
    %swap3A_83 = tpu.vector_load %arg6[%swap3A_82] {strides = array<i32>} : memref<8320xf32, #tpu.memory_space<vmem>>, vector<16xf32>,
    tpu.vector_store %arg6[%swap3A_82], %broadcast_in_dim3A_41 {strides = array<i32>} : memref<8320xf32, #tpu.memory_space<vmem>>, vector<16xf32>,
    %swap3A_84 = arith.constant 8272 : index
    %swap3A_85 = tpu.vector_load %arg7[%swap3A_84] {strides = array<i32>} : memref<8320xf32, #tpu.memory_space<vmem>>, vector<16xf32>,
    tpu.vector_store %arg7[%swap3A_84], %broadcast_in_dim3A_41 {strides = array<i32>} : memref<8320xf32, #tpu.memory_space<vmem>>, vector<16xf32>,
    %swap3A_86 = arith.constant 8272 : index
    %swap3A_87 = tpu.vector_load %arg8[%swap3A_86] {strides = array<i32>} : memref<8320xf32, #tpu.memory_space<vmem>>, vector<16xf32>,
    tpu.vector_store %arg8[%swap3A_86], %broadcast_in_dim3A_41 {strides = array<i32>} : memref<8320xf32, #tpu.memory_space<vmem>>, vector<16xf32>,
    %swap3A_88 = arith.constant 8272 : index
    %swap3A_89 = tpu.vector_load %arg9[%swap3A_88] {strides = array<i32>} : memref<8320xf32, #tpu.memory_space<vmem>>, vector<16xf32>,
    tpu.vector_store %arg9[%swap3A_88], %broadcast_in_dim3A_41 {strides = array<i32>} : memref<8320xf32, #tpu.memory_space<vmem>>, vector<16xf32>,
    %swap3A_90 = arith.constant 8288 : index
    %swap3A_91 = tpu.vector_load %arg6[%swap3A_90] {strides = array<i32>} : memref<8320xf32, #tpu.memory_space<vmem>>, vector<16xf32>,
    tpu.vector_store %arg6[%swap3A_90], %broadcast_in_dim3A_41 {strides = array<i32>} : memref<8320xf32, #tpu.memory_space<vmem>>, vector<16xf32>,
    %swap3A_92 = arith.constant 8288 : index
    %swap3A_93 = tpu.vector_load %arg7[%swap3A_92] {strides = array<i32>} : memref<8320xf32, #tpu.memory_space<vmem>>, vector<16xf32>,
    tpu.vector_store %arg7[%swap3A_92], %broadcast_in_dim3A_41 {strides = array<i32>} : memref<8320xf32, #tpu.memory_space<vmem>>, vector<16xf32>,
    %swap3A_94 = arith.constant 8288 : index
    %swap3A_95 = tpu.vector_load %arg8[%swap3A_94] {strides = array<i32>} : memref<8320xf32, #tpu.memory_space<vmem>>, vector<16xf32>,
    tpu.vector_store %arg8[%swap3A_94], %broadcast_in_dim3A_41 {strides = array<i32>} : memref<8320xf32, #tpu.memory_space<vmem>>, vector<16xf32>,
    %swap3A_96 = arith.constant 8288 : index
    %swap3A_97 = tpu.vector_load %arg9[%swap3A_96] {strides = array<i32>} : memref<8320xf32, #tpu.memory_space<vmem>>, vector<16xf32>,
    tpu.vector_store %arg9[%swap3A_96], %broadcast_in_dim3A_41 {strides = array<i32>} : memref<8320xf32, #tpu.memory_space<vmem>>, vector<16xf32>,
    %swap3A_98 = arith.constant 8304 : index
    %swap3A_99 = tpu.vector_load %arg6[%swap3A_98] {strides = array<i32>} : memref<8320xf32, #tpu.memory_space<vmem>>, vector<16xf32>,
    tpu.vector_store %arg6[%swap3A_98], %broadcast_in_dim3A_41 {strides = array<i32>} : memref<8320xf32, #tpu.memory_space<vmem>>, vector<16xf32>,
    %swap3A_100 = arith.constant 8304 : index
    %swap3A_101 = tpu.vector_load %arg7[%swap3A_100] {strides = array<i32>} : memref<8320xf32, #tpu.memory_space<vmem>>, vector<16xf32>,
    tpu.vector_store %arg7[%swap3A_100], %broadcast_in_dim3A_41 {strides = array<i32>} : memref<8320xf32, #tpu.memory_space<vmem>>, vector<16xf32>,
    %swap3A_102 = arith.constant 8304 : index
    %swap3A_103 = tpu.vector_load %arg8[%swap3A_102] {strides = array<i32>} : memref<8320xf32, #tpu.memory_space<vmem>>, vector<16xf32>,
    tpu.vector_store %arg8[%swap3A_102], %broadcast_in_dim3A_41 {strides = array<i32>} : memref<8320xf32, #tpu.memory_space<vmem>>, vector<16xf32>,
    %swap3A_104 = arith.constant 8304 : index
    %swap3A_105 = tpu.vector_load %arg9[%swap3A_104] {strides = array<i32>} : memref<8320xf32, #tpu.memory_space<vmem>>, vector<16xf32>,
    tpu.vector_store %arg9[%swap3A_104], %broadcast_in_dim3A_41 {strides = array<i32>} : memref<8320xf32, #tpu.memory_space<vmem>>, vector<16xf32>,
    %scan3A = arith.constant 0 : i32
    %scan3A_106 = arith.constant 0 : i32
    %scan3A_107 = arith.constant 512 : i32
    %scan3A_108 = arith.addi %scan3A_106, %scan3A_107 : i32
    %scan3A_109 = arith.constant 1 : i32
    scf.for %scan3A_133 = %scan3A_106 to %scan3A_108 step %scan3A_109  : i32 {
      %mul3A_134 = arith.constant 16 : i32
      %mul3A_135 = arith.muli %scan3A_133, %mul3A_134 : i32
      %get3A_136 = arith.index_cast %mul3A_135 : i32 to index
      %get3A_137 = tpu.vector_load %arg6[%get3A_136] {strides = array<i32>} : memref<8320xf32, #tpu.memory_space<vmem>>, vector<16xf32>,
      %get3A_138 = arith.index_cast %mul3A_135 : i32 to index
      %get3A_139 = tpu.vector_load %arg7[%get3A_138] {strides = array<i32>} : memref<8320xf32, #tpu.memory_space<vmem>>, vector<16xf32>,
      %get3A_140 = arith.index_cast %mul3A_135 : i32 to index
      %get3A_141 = tpu.vector_load %arg8[%get3A_140] {strides = array<i32>} : memref<8320xf32, #tpu.memory_space<vmem>>, vector<16xf32>,
      %mul3A_142 = arith.mulf %get3A_137, %get3A_137 : vector<16xf32>
      %mul3A_143 = arith.mulf %get3A_139, %get3A_139 : vector<16xf32>
      %add3A_144 = arith.addf %mul3A_142, %mul3A_143 : vector<16xf32>
      %mul3A_145 = arith.mulf %get3A_141, %get3A_141 : vector<16xf32>
      %add3A_146 = arith.addf %add3A_144, %mul3A_145 : vector<16xf32>
      %le3A = arith.constant 1.000000e-03 : f32
      %le3A_147 = vector.broadcast %le3A : f32 to vector<16xf32>
      %le3A_148 = arith.cmpf ole, %add3A_146, %le3A_147 : vector<16xf32>
      %select_n3A_149 = arith.select %le3A_148, %broadcast_in_dim3A_37, %broadcast_in_dim3A_39 : vector<16xi1>, vector<16xf32>
      %swap3A_150 = arith.index_cast %mul3A_135 : i32 to index
      %swap3A_151 = tpu.vector_load %arg9[%swap3A_150] {strides = array<i32>} : memref<8320xf32, #tpu.memory_space<vmem>>, vector<16xf32>,
      tpu.vector_store %arg9[%swap3A_150], %select_n3A_149 {strides = array<i32>} : memref<8320xf32, #tpu.memory_space<vmem>>, vector<16xf32>,
    }
    %scan3A_110 = arith.constant 512 : i32
    "tpu.region"() ({
      %run_scoped3A = tpu.sem_alloc : memref<!tpu.dma_semaphore, #tpu.memory_space<semaphore_mem>>
      %dma_start3A = arith.constant 0 : i32
      %dma_start3A_133 = tpu.memref_slice %arg2[%add3A, %dma_start3A] : memref<16x16384xf32, #tpu.memory_space<hbm>> -> memref<1x16xf32, #tpu.memory_space<hbm>>
      %dma_start3A_134 = tpu.memref_squeeze %dma_start3A_133 : memref<1x16xf32, #tpu.memory_space<hbm>> -> memref<16xf32, #tpu.memory_space<hbm>>
      %dma_start3A_135 = arith.constant 0 : i32
      %dma_start3A_136 = tpu.memref_slice %arg2[%add3A, %dma_start3A_135] : memref<16x16384xf32, #tpu.memory_space<hbm>> -> memref<1x16xf32, #tpu.memory_space<hbm>>
      %dma_start3A_137 = tpu.memref_squeeze %dma_start3A_136 : memref<1x16xf32, #tpu.memory_space<hbm>> -> memref<16xf32, #tpu.memory_space<hbm>>
      tpu.enqueue_dma source(%dma_start3A_137 : memref<16xf32, #tpu.memory_space<hbm>>) target(%arg11 : memref<16xf32, #tpu.memory_space<vmem>>) target_semaphore(%run_scoped3A : memref<!tpu.dma_semaphore, #tpu.memory_space<semaphore_mem>>)
      %dma_wait3A = arith.constant 0 : i32
      %dma_wait3A_138 = tpu.memref_slice %arg2[%add3A, %dma_wait3A] : memref<16x16384xf32, #tpu.memory_space<hbm>> -> memref<1x16xf32, #tpu.memory_space<hbm>>
      %dma_wait3A_139 = tpu.memref_squeeze %dma_wait3A_138 : memref<1x16xf32, #tpu.memory_space<hbm>> -> memref<16xf32, #tpu.memory_space<hbm>>
      %dma_wait3A_140 = arith.constant 0 : i32
      %dma_wait3A_141 = tpu.memref_slice %arg2[%add3A, %dma_wait3A_140] : memref<16x16384xf32, #tpu.memory_space<hbm>> -> memref<1x16xf32, #tpu.memory_space<hbm>>
      %dma_wait3A_142 = tpu.memref_squeeze %dma_wait3A_141 : memref<1x16xf32, #tpu.memory_space<hbm>> -> memref<16xf32, #tpu.memory_space<hbm>>
      tpu.wait_dma2 semaphore(%run_scoped3A : memref<!tpu.dma_semaphore, #tpu.memory_space<semaphore_mem>>) src(%dma_wait3A_142 : memref<16xf32, #tpu.memory_space<hbm>>) dst(%arg11 : memref<16xf32, #tpu.memory_space<vmem>>)
      tpu.yield
    }) : () -> ()
    %get3A = arith.constant 0 : index
    %get3A_111 = tpu.vector_load %arg11[%get3A] {strides = array<i32>} : memref<16xf32, #tpu.memory_space<vmem>>, vector<16xf32>,
    %slice3A = vector.extract_strided_slice %get3A_111 {offsets = [0], sizes = [1], strides = [1]} : vector<16xf32> to vector<1xf32>
    %squeeze3A = vector.extract %slice3A[0] : f32 from vector<1xf32>
    "tpu.region"() ({
      %run_scoped3A = tpu.sem_alloc : memref<!tpu.dma_semaphore, #tpu.memory_space<semaphore_mem>>
      %dma_start3A = arith.constant 0 : i32
      %dma_start3A_133 = tpu.memref_slice %arg3[%add3A, %dma_start3A] : memref<16x16384xf32, #tpu.memory_space<hbm>> -> memref<1x16xf32, #tpu.memory_space<hbm>>
      %dma_start3A_134 = tpu.memref_squeeze %dma_start3A_133 : memref<1x16xf32, #tpu.memory_space<hbm>> -> memref<16xf32, #tpu.memory_space<hbm>>
      %dma_start3A_135 = arith.constant 0 : i32
      %dma_start3A_136 = tpu.memref_slice %arg3[%add3A, %dma_start3A_135] : memref<16x16384xf32, #tpu.memory_space<hbm>> -> memref<1x16xf32, #tpu.memory_space<hbm>>
      %dma_start3A_137 = tpu.memref_squeeze %dma_start3A_136 : memref<1x16xf32, #tpu.memory_space<hbm>> -> memref<16xf32, #tpu.memory_space<hbm>>
      tpu.enqueue_dma source(%dma_start3A_137 : memref<16xf32, #tpu.memory_space<hbm>>) target(%arg11 : memref<16xf32, #tpu.memory_space<vmem>>) target_semaphore(%run_scoped3A : memref<!tpu.dma_semaphore, #tpu.memory_space<semaphore_mem>>)
      %dma_wait3A = arith.constant 0 : i32
      %dma_wait3A_138 = tpu.memref_slice %arg3[%add3A, %dma_wait3A] : memref<16x16384xf32, #tpu.memory_space<hbm>> -> memref<1x16xf32, #tpu.memory_space<hbm>>
      %dma_wait3A_139 = tpu.memref_squeeze %dma_wait3A_138 : memref<1x16xf32, #tpu.memory_space<hbm>> -> memref<16xf32, #tpu.memory_space<hbm>>
      %dma_wait3A_140 = arith.constant 0 : i32
      %dma_wait3A_141 = tpu.memref_slice %arg3[%add3A, %dma_wait3A_140] : memref<16x16384xf32, #tpu.memory_space<hbm>> -> memref<1x16xf32, #tpu.memory_space<hbm>>
      %dma_wait3A_142 = tpu.memref_squeeze %dma_wait3A_141 : memref<1x16xf32, #tpu.memory_space<hbm>> -> memref<16xf32, #tpu.memory_space<hbm>>
      tpu.wait_dma2 semaphore(%run_scoped3A : memref<!tpu.dma_semaphore, #tpu.memory_space<semaphore_mem>>) src(%dma_wait3A_142 : memref<16xf32, #tpu.memory_space<hbm>>) dst(%arg11 : memref<16xf32, #tpu.memory_space<vmem>>)
      tpu.yield
    }) : () -> ()
    %get3A_112 = arith.constant 0 : index
    %get3A_113 = tpu.vector_load %arg11[%get3A_112] {strides = array<i32>} : memref<16xf32, #tpu.memory_space<vmem>>, vector<16xf32>,
    %slice3A_114 = vector.extract_strided_slice %get3A_113 {offsets = [0], sizes = [1], strides = [1]} : vector<16xf32> to vector<1xf32>
    %squeeze3A_115 = vector.extract %slice3A_114[0] : f32 from vector<1xf32>
    "tpu.region"() ({
      %run_scoped3A = tpu.sem_alloc : memref<!tpu.dma_semaphore, #tpu.memory_space<semaphore_mem>>
      %dma_start3A = arith.constant 0 : i32
      %dma_start3A_133 = tpu.memref_slice %arg4[%add3A, %dma_start3A] : memref<16x16384xf32, #tpu.memory_space<hbm>> -> memref<1x16xf32, #tpu.memory_space<hbm>>
      %dma_start3A_134 = tpu.memref_squeeze %dma_start3A_133 : memref<1x16xf32, #tpu.memory_space<hbm>> -> memref<16xf32, #tpu.memory_space<hbm>>
      %dma_start3A_135 = arith.constant 0 : i32
      %dma_start3A_136 = tpu.memref_slice %arg4[%add3A, %dma_start3A_135] : memref<16x16384xf32, #tpu.memory_space<hbm>> -> memref<1x16xf32, #tpu.memory_space<hbm>>
      %dma_start3A_137 = tpu.memref_squeeze %dma_start3A_136 : memref<1x16xf32, #tpu.memory_space<hbm>> -> memref<16xf32, #tpu.memory_space<hbm>>
      tpu.enqueue_dma source(%dma_start3A_137 : memref<16xf32, #tpu.memory_space<hbm>>) target(%arg11 : memref<16xf32, #tpu.memory_space<vmem>>) target_semaphore(%run_scoped3A : memref<!tpu.dma_semaphore, #tpu.memory_space<semaphore_mem>>)
      %dma_wait3A = arith.constant 0 : i32
      %dma_wait3A_138 = tpu.memref_slice %arg4[%add3A, %dma_wait3A] : memref<16x16384xf32, #tpu.memory_space<hbm>> -> memref<1x16xf32, #tpu.memory_space<hbm>>
      %dma_wait3A_139 = tpu.memref_squeeze %dma_wait3A_138 : memref<1x16xf32, #tpu.memory_space<hbm>> -> memref<16xf32, #tpu.memory_space<hbm>>
      %dma_wait3A_140 = arith.constant 0 : i32
      %dma_wait3A_141 = tpu.memref_slice %arg4[%add3A, %dma_wait3A_140] : memref<16x16384xf32, #tpu.memory_space<hbm>> -> memref<1x16xf32, #tpu.memory_space<hbm>>
      %dma_wait3A_142 = tpu.memref_squeeze %dma_wait3A_141 : memref<1x16xf32, #tpu.memory_space<hbm>> -> memref<16xf32, #tpu.memory_space<hbm>>
      tpu.wait_dma2 semaphore(%run_scoped3A : memref<!tpu.dma_semaphore, #tpu.memory_space<semaphore_mem>>) src(%dma_wait3A_142 : memref<16xf32, #tpu.memory_space<hbm>>) dst(%arg11 : memref<16xf32, #tpu.memory_space<vmem>>)
      tpu.yield
    }) : () -> ()
    %get3A_116 = arith.constant 0 : index
    %get3A_117 = tpu.vector_load %arg11[%get3A_116] {strides = array<i32>} : memref<16xf32, #tpu.memory_space<vmem>>, vector<16xf32>,
    %slice3A_118 = vector.extract_strided_slice %get3A_117 {offsets = [0], sizes = [1], strides = [1]} : vector<16xf32> to vector<1xf32>
    %squeeze3A_119 = vector.extract %slice3A_118[0] : f32 from vector<1xf32>
    %broadcast_in_dim3A_120 = vector.broadcast %squeeze3A : f32 to vector<16xf32>
    %broadcast_in_dim3A_121 = vector.broadcast %squeeze3A_115 : f32 to vector<16xf32>
    %broadcast_in_dim3A_122 = vector.broadcast %squeeze3A_119 : f32 to vector<16xf32>
    %scan3A_123 = arith.constant 0 : i32
    %scan3A_124 = arith.constant 0 : i32
    %scan3A_125 = arith.constant 32 : i32
    %scan3A_126 = arith.addi %scan3A_124, %scan3A_125 : i32
    %scan3A_127 = arith.constant 1 : i32
    %scan3A_128:4 = scf.for %scan3A_133 = %scan3A_124 to %scan3A_126 step %scan3A_127 iter_args(%scan3A_134 = %broadcast_in_dim3A_120, %scan3A_135 = %broadcast_in_dim3A_121, %scan3A_136 = %broadcast_in_dim3A_122, %scan3A_137 = %scan3A_123) -> (vector<16xf32>, vector<16xf32>, vector<16xf32>, i32)  : i32 {
      %broadcast_in_dim3A_138 = arith.constant 0 : i32
      %broadcast_in_dim3A_139 = vector.broadcast %broadcast_in_dim3A_138 : i32 to vector<16xi32>
      %scan3A_140 = arith.constant 0 : i32
      %scan3A_141 = arith.constant 16 : i32
      %scan3A_142 = arith.addi %scan3A_140, %scan3A_141 : i32
      %scan3A_143 = arith.constant 1 : i32
      %scan3A_144:5 = scf.for %scan3A_151 = %scan3A_140 to %scan3A_142 step %scan3A_143 iter_args(%scan3A_152 = %scan3A_134, %scan3A_153 = %scan3A_135, %scan3A_154 = %scan3A_136, %scan3A_155 = %scan3A_137, %scan3A_156 = %broadcast_in_dim3A_139) -> (vector<16xf32>, vector<16xf32>, vector<16xf32>, i32, vector<16xi32>)  : i32 {
        %mul3A_157 = arith.constant 16 : i32
        %mul3A_158 = arith.muli %scan3A_133, %mul3A_157 : i32
        %add3A_159 = arith.addi %mul3A_158, %scan3A_151 : i32
        %eq3A_160 = vector.broadcast %scan3A_151 : i32 to vector<16xi32>
        %eq3A_161 = arith.cmpi eq, %iota3A, %eq3A_160 : vector<16xi32>
        %broadcast_in_dim3A_162 = vector.broadcast %scan3A_155 : i32 to vector<16xi32>
        %select_n3A_163 = arith.select %eq3A_161, %broadcast_in_dim3A_162, %scan3A_156 : vector<16xi1>, vector<16xi32>
        %broadcast_in_dim3A_164 = arith.constant -3.400000e+38 : f32
        %broadcast_in_dim3A_165 = vector.broadcast %broadcast_in_dim3A_164 : f32 to vector<16xf32>
        %broadcast_in_dim3A_166 = arith.constant 0 : i32
        %broadcast_in_dim3A_167 = vector.broadcast %broadcast_in_dim3A_166 : i32 to vector<16xi32>
        %get3A_168 = arith.constant 0 : index
        %get3A_169 = tpu.vector_load %arg6[%get3A_168] {strides = array<i32>} : memref<8320xf32, #tpu.memory_space<vmem>>, vector<16xf32>,
        %get3A_170 = arith.constant 16 : index
        %get3A_171 = tpu.vector_load %arg6[%get3A_170] {strides = array<i32>} : memref<8320xf32, #tpu.memory_space<vmem>>, vector<16xf32>,
        %get3A_172 = arith.constant 32 : index
        %get3A_173 = tpu.vector_load %arg6[%get3A_172] {strides = array<i32>} : memref<8320xf32, #tpu.memory_space<vmem>>, vector<16xf32>,
        %get3A_174 = arith.constant 48 : index
        %get3A_175 = tpu.vector_load %arg6[%get3A_174] {strides = array<i32>} : memref<8320xf32, #tpu.memory_space<vmem>>, vector<16xf32>,
        %get3A_176 = arith.constant 64 : index
        %get3A_177 = tpu.vector_load %arg6[%get3A_176] {strides = array<i32>} : memref<8320xf32, #tpu.memory_space<vmem>>, vector<16xf32>,
        %get3A_178 = arith.constant 80 : index
        %get3A_179 = tpu.vector_load %arg6[%get3A_178] {strides = array<i32>} : memref<8320xf32, #tpu.memory_space<vmem>>, vector<16xf32>,
        %get3A_180 = arith.constant 96 : index
        %get3A_181 = tpu.vector_load %arg6[%get3A_180] {strides = array<i32>} : memref<8320xf32, #tpu.memory_space<vmem>>, vector<16xf32>,
        %get3A_182 = arith.constant 112 : index
        %get3A_183 = tpu.vector_load %arg6[%get3A_182] {strides = array<i32>} : memref<8320xf32, #tpu.memory_space<vmem>>, vector<16xf32>,
        %get3A_184 = arith.constant 0 : index
        %get3A_185 = tpu.vector_load %arg7[%get3A_184] {strides = array<i32>} : memref<8320xf32, #tpu.memory_space<vmem>>, vector<16xf32>,
        %get3A_186 = arith.constant 16 : index
        %get3A_187 = tpu.vector_load %arg7[%get3A_186] {strides = array<i32>} : memref<8320xf32, #tpu.memory_space<vmem>>, vector<16xf32>,
        %get3A_188 = arith.constant 32 : index
        %get3A_189 = tpu.vector_load %arg7[%get3A_188] {strides = array<i32>} : memref<8320xf32, #tpu.memory_space<vmem>>, vector<16xf32>,
        %get3A_190 = arith.constant 48 : index
        %get3A_191 = tpu.vector_load %arg7[%get3A_190] {strides = array<i32>} : memref<8320xf32, #tpu.memory_space<vmem>>, vector<16xf32>,
        %get3A_192 = arith.constant 64 : index
        %get3A_193 = tpu.vector_load %arg7[%get3A_192] {strides = array<i32>} : memref<8320xf32, #tpu.memory_space<vmem>>, vector<16xf32>,
        %get3A_194 = arith.constant 80 : index
        %get3A_195 = tpu.vector_load %arg7[%get3A_194] {strides = array<i32>} : memref<8320xf32, #tpu.memory_space<vmem>>, vector<16xf32>,
        %get3A_196 = arith.constant 96 : index
        %get3A_197 = tpu.vector_load %arg7[%get3A_196] {strides = array<i32>} : memref<8320xf32, #tpu.memory_space<vmem>>, vector<16xf32>,
        %get3A_198 = arith.constant 112 : index
        %get3A_199 = tpu.vector_load %arg7[%get3A_198] {strides = array<i32>} : memref<8320xf32, #tpu.memory_space<vmem>>, vector<16xf32>,
        %get3A_200 = arith.constant 0 : index
        %get3A_201 = tpu.vector_load %arg8[%get3A_200] {strides = array<i32>} : memref<8320xf32, #tpu.memory_space<vmem>>, vector<16xf32>,
        %get3A_202 = arith.constant 16 : index
        %get3A_203 = tpu.vector_load %arg8[%get3A_202] {strides = array<i32>} : memref<8320xf32, #tpu.memory_space<vmem>>, vector<16xf32>,
        %get3A_204 = arith.constant 32 : index
        %get3A_205 = tpu.vector_load %arg8[%get3A_204] {strides = array<i32>} : memref<8320xf32, #tpu.memory_space<vmem>>, vector<16xf32>,
        %get3A_206 = arith.constant 48 : index
        %get3A_207 = tpu.vector_load %arg8[%get3A_206] {strides = array<i32>} : memref<8320xf32, #tpu.memory_space<vmem>>, vector<16xf32>,
        %get3A_208 = arith.constant 64 : index
        %get3A_209 = tpu.vector_load %arg8[%get3A_208] {strides = array<i32>} : memref<8320xf32, #tpu.memory_space<vmem>>, vector<16xf32>,
        %get3A_210 = arith.constant 80 : index
        %get3A_211 = tpu.vector_load %arg8[%get3A_210] {strides = array<i32>} : memref<8320xf32, #tpu.memory_space<vmem>>, vector<16xf32>,
        %get3A_212 = arith.constant 96 : index
        %get3A_213 = tpu.vector_load %arg8[%get3A_212] {strides = array<i32>} : memref<8320xf32, #tpu.memory_space<vmem>>, vector<16xf32>,
        %get3A_214 = arith.constant 112 : index
        %get3A_215 = tpu.vector_load %arg8[%get3A_214] {strides = array<i32>} : memref<8320xf32, #tpu.memory_space<vmem>>, vector<16xf32>,
        %scan3A_216 = arith.constant 0 : i32
        %scan3A_217 = arith.constant 64 : i32
        %scan3A_218 = arith.addi %scan3A_216, %scan3A_217 : i32
        %scan3A_219 = arith.constant 1 : i32
        %scan3A_220:26 = scf.for %scan3A_334 = %scan3A_216 to %scan3A_218 step %scan3A_219 iter_args(%scan3A_335 = %broadcast_in_dim3A_165, %scan3A_336 = %broadcast_in_dim3A_167, %scan3A_337 = %get3A_169, %scan3A_338 = %get3A_171, %scan3A_339 = %get3A_173, %scan3A_340 = %get3A_175, %scan3A_341 = %get3A_177, %scan3A_342 = %get3A_179, %scan3A_343 = %get3A_181, %scan3A_344 = %get3A_183, %scan3A_345 = %get3A_185, %scan3A_346 = %get3A_187, %scan3A_347 = %get3A_189, %scan3A_348 = %get3A_191, %scan3A_349 = %get3A_193, %scan3A_350 = %get3A_195, %scan3A_351 = %get3A_197, %scan3A_352 = %get3A_199, %scan3A_353 = %get3A_201, %scan3A_354 = %get3A_203, %scan3A_355 = %get3A_205, %scan3A_356 = %get3A_207, %scan3A_357 = %get3A_209, %scan3A_358 = %get3A_211, %scan3A_359 = %get3A_213, %scan3A_360 = %get3A_215) -> (vector<16xf32>, vector<16xi32>, vector<16xf32>, vector<16xf32>, vector<16xf32>, vector<16xf32>, vector<16xf32>, vector<16xf32>, vector<16xf32>, vector<16xf32>, vector<16xf32>, vector<16xf32>, vector<16xf32>, vector<16xf32>, vector<16xf32>, vector<16xf32>, vector<16xf32>, vector<16xf32>, vector<16xf32>, vector<16xf32>, vector<16xf32>, vector<16xf32>, vector<16xf32>, vector<16xf32>, vector<16xf32>, vector<16xf32>)  : i32 {
          %add3A_361 = arith.constant 1 : i32
          %add3A_362 = arith.addi %scan3A_334, %add3A_361 : i32
          %mul3A_363 = arith.constant 128 : i32
          %mul3A_364 = arith.muli %add3A_362, %mul3A_363 : i32
          %add3A_365 = arith.constant 0 : i32
          %add3A_366 = arith.addi %mul3A_364, %add3A_365 : i32
          %get3A_367 = arith.index_cast %add3A_366 : i32 to index
          %get3A_368 = tpu.vector_load %arg6[%get3A_367] {strides = array<i32>} : memref<8320xf32, #tpu.memory_space<vmem>>, vector<16xf32>,
          %add3A_369 = arith.constant 16 : i32
          %add3A_370 = arith.addi %mul3A_364, %add3A_369 : i32
          %get3A_371 = arith.index_cast %add3A_370 : i32 to index
          %get3A_372 = tpu.vector_load %arg6[%get3A_371] {strides = array<i32>} : memref<8320xf32, #tpu.memory_space<vmem>>, vector<16xf32>,
          %add3A_373 = arith.constant 32 : i32
          %add3A_374 = arith.addi %mul3A_364, %add3A_373 : i32
          %get3A_375 = arith.index_cast %add3A_374 : i32 to index
          %get3A_376 = tpu.vector_load %arg6[%get3A_375] {strides = array<i32>} : memref<8320xf32, #tpu.memory_space<vmem>>, vector<16xf32>,
          %add3A_377 = arith.constant 48 : i32
          %add3A_378 = arith.addi %mul3A_364, %add3A_377 : i32
          %get3A_379 = arith.index_cast %add3A_378 : i32 to index
          %get3A_380 = tpu.vector_load %arg6[%get3A_379] {strides = array<i32>} : memref<8320xf32, #tpu.memory_space<vmem>>, vector<16xf32>,
          %add3A_381 = arith.constant 64 : i32
          %add3A_382 = arith.addi %mul3A_364, %add3A_381 : i32
          %get3A_383 = arith.index_cast %add3A_382 : i32 to index
          %get3A_384 = tpu.vector_load %arg6[%get3A_383] {strides = array<i32>} : memref<8320xf32, #tpu.memory_space<vmem>>, vector<16xf32>,
          %add3A_385 = arith.constant 80 : i32
          %add3A_386 = arith.addi %mul3A_364, %add3A_385 : i32
          %get3A_387 = arith.index_cast %add3A_386 : i32 to index
          %get3A_388 = tpu.vector_load %arg6[%get3A_387] {strides = array<i32>} : memref<8320xf32, #tpu.memory_space<vmem>>, vector<16xf32>,
          %add3A_389 = arith.constant 96 : i32
          %add3A_390 = arith.addi %mul3A_364, %add3A_389 : i32
          %get3A_391 = arith.index_cast %add3A_390 : i32 to index
          %get3A_392 = tpu.vector_load %arg6[%get3A_391] {strides = array<i32>} : memref<8320xf32, #tpu.memory_space<vmem>>, vector<16xf32>,
          %add3A_393 = arith.constant 112 : i32
          %add3A_394 = arith.addi %mul3A_364, %add3A_393 : i32
          %get3A_395 = arith.index_cast %add3A_394 : i32 to index
          %get3A_396 = tpu.vector_load %arg6[%get3A_395] {strides = array<i32>} : memref<8320xf32, #tpu.memory_space<vmem>>, vector<16xf32>,
          %add3A_397 = arith.constant 0 : i32
          %add3A_398 = arith.addi %mul3A_364, %add3A_397 : i32
          %get3A_399 = arith.index_cast %add3A_398 : i32 to index
          %get3A_400 = tpu.vector_load %arg7[%get3A_399] {strides = array<i32>} : memref<8320xf32, #tpu.memory_space<vmem>>, vector<16xf32>,
          %add3A_401 = arith.constant 16 : i32
          %add3A_402 = arith.addi %mul3A_364, %add3A_401 : i32
          %get3A_403 = arith.index_cast %add3A_402 : i32 to index
          %get3A_404 = tpu.vector_load %arg7[%get3A_403] {strides = array<i32>} : memref<8320xf32, #tpu.memory_space<vmem>>, vector<16xf32>,
          %add3A_405 = arith.constant 32 : i32
          %add3A_406 = arith.addi %mul3A_364, %add3A_405 : i32
          %get3A_407 = arith.index_cast %add3A_406 : i32 to index
          %get3A_408 = tpu.vector_load %arg7[%get3A_407] {strides = array<i32>} : memref<8320xf32, #tpu.memory_space<vmem>>, vector<16xf32>,
          %add3A_409 = arith.constant 48 : i32
          %add3A_410 = arith.addi %mul3A_364, %add3A_409 : i32
          %get3A_411 = arith.index_cast %add3A_410 : i32 to index
          %get3A_412 = tpu.vector_load %arg7[%get3A_411] {strides = array<i32>} : memref<8320xf32, #tpu.memory_space<vmem>>, vector<16xf32>,
          %add3A_413 = arith.constant 64 : i32
          %add3A_414 = arith.addi %mul3A_364, %add3A_413 : i32
          %get3A_415 = arith.index_cast %add3A_414 : i32 to index
          %get3A_416 = tpu.vector_load %arg7[%get3A_415] {strides = array<i32>} : memref<8320xf32, #tpu.memory_space<vmem>>, vector<16xf32>,
          %add3A_417 = arith.constant 80 : i32
          %add3A_418 = arith.addi %mul3A_364, %add3A_417 : i32
          %get3A_419 = arith.index_cast %add3A_418 : i32 to index
          %get3A_420 = tpu.vector_load %arg7[%get3A_419] {strides = array<i32>} : memref<8320xf32, #tpu.memory_space<vmem>>, vector<16xf32>,
          %add3A_421 = arith.constant 96 : i32
          %add3A_422 = arith.addi %mul3A_364, %add3A_421 : i32
          %get3A_423 = arith.index_cast %add3A_422 : i32 to index
          %get3A_424 = tpu.vector_load %arg7[%get3A_423] {strides = array<i32>} : memref<8320xf32, #tpu.memory_space<vmem>>, vector<16xf32>,
          %add3A_425 = arith.constant 112 : i32
          %add3A_426 = arith.addi %mul3A_364, %add3A_425 : i32
          %get3A_427 = arith.index_cast %add3A_426 : i32 to index
          %get3A_428 = tpu.vector_load %arg7[%get3A_427] {strides = array<i32>} : memref<8320xf32, #tpu.memory_space<vmem>>, vector<16xf32>,
          %add3A_429 = arith.constant 0 : i32
          %add3A_430 = arith.addi %mul3A_364, %add3A_429 : i32
          %get3A_431 = arith.index_cast %add3A_430 : i32 to index
          %get3A_432 = tpu.vector_load %arg8[%get3A_431] {strides = array<i32>} : memref<8320xf32, #tpu.memory_space<vmem>>, vector<16xf32>,
          %add3A_433 = arith.constant 16 : i32
          %add3A_434 = arith.addi %mul3A_364, %add3A_433 : i32
          %get3A_435 = arith.index_cast %add3A_434 : i32 to index
          %get3A_436 = tpu.vector_load %arg8[%get3A_435] {strides = array<i32>} : memref<8320xf32, #tpu.memory_space<vmem>>, vector<16xf32>,
          %add3A_437 = arith.constant 32 : i32
          %add3A_438 = arith.addi %mul3A_364, %add3A_437 : i32
          %get3A_439 = arith.index_cast %add3A_438 : i32 to index
          %get3A_440 = tpu.vector_load %arg8[%get3A_439] {strides = array<i32>} : memref<8320xf32, #tpu.memory_space<vmem>>, vector<16xf32>,
          %add3A_441 = arith.constant 48 : i32
          %add3A_442 = arith.addi %mul3A_364, %add3A_441 : i32
          %get3A_443 = arith.index_cast %add3A_442 : i32 to index
          %get3A_444 = tpu.vector_load %arg8[%get3A_443] {strides = array<i32>} : memref<8320xf32, #tpu.memory_space<vmem>>, vector<16xf32>,
          %add3A_445 = arith.constant 64 : i32
          %add3A_446 = arith.addi %mul3A_364, %add3A_445 : i32
          %get3A_447 = arith.index_cast %add3A_446 : i32 to index
          %get3A_448 = tpu.vector_load %arg8[%get3A_447] {strides = array<i32>} : memref<8320xf32, #tpu.memory_space<vmem>>, vector<16xf32>,
          %add3A_449 = arith.constant 80 : i32
          %add3A_450 = arith.addi %mul3A_364, %add3A_449 : i32
          %get3A_451 = arith.index_cast %add3A_450 : i32 to index
          %get3A_452 = tpu.vector_load %arg8[%get3A_451] {strides = array<i32>} : memref<8320xf32, #tpu.memory_space<vmem>>, vector<16xf32>,
          %add3A_453 = arith.constant 96 : i32
          %add3A_454 = arith.addi %mul3A_364, %add3A_453 : i32
          %get3A_455 = arith.index_cast %add3A_454 : i32 to index
          %get3A_456 = tpu.vector_load %arg8[%get3A_455] {strides = array<i32>} : memref<8320xf32, #tpu.memory_space<vmem>>, vector<16xf32>,
          %add3A_457 = arith.constant 112 : i32
          %add3A_458 = arith.addi %mul3A_364, %add3A_457 : i32
          %get3A_459 = arith.index_cast %add3A_458 : i32 to index
          %get3A_460 = tpu.vector_load %arg8[%get3A_459] {strides = array<i32>} : memref<8320xf32, #tpu.memory_space<vmem>>, vector<16xf32>,
          %mul3A_461 = arith.constant 128 : i32
          %mul3A_462 = arith.muli %scan3A_334, %mul3A_461 : i32
          %add3A_463 = arith.constant 0 : i32
          %add3A_464 = arith.addi %mul3A_462, %add3A_463 : i32
          %sub3A_465 = arith.subf %scan3A_337, %scan3A_152 : vector<16xf32>
          %sub3A_466 = arith.subf %scan3A_345, %scan3A_153 : vector<16xf32>
          %sub3A_467 = arith.subf %scan3A_353, %scan3A_154 : vector<16xf32>
          %mul3A_468 = arith.mulf %sub3A_465, %sub3A_465 : vector<16xf32>
          %mul3A_469 = arith.mulf %sub3A_466, %sub3A_466 : vector<16xf32>
          %add3A_470 = arith.addf %mul3A_468, %mul3A_469 : vector<16xf32>
          %mul3A_471 = arith.mulf %sub3A_467, %sub3A_467 : vector<16xf32>
          %add3A_472 = arith.addf %add3A_470, %mul3A_471 : vector<16xf32>
          %get3A_473 = arith.index_cast %add3A_464 : i32 to index
          %get3A_474 = tpu.vector_load %arg9[%get3A_473] {strides = array<i32>} : memref<8320xf32, #tpu.memory_space<vmem>>, vector<16xf32>,
          %min3A = arith.minimumf %get3A_474, %add3A_472 : vector<16xf32>
          %swap3A_475 = arith.index_cast %add3A_464 : i32 to index
          %swap3A_476 = tpu.vector_load %arg9[%swap3A_475] {strides = array<i32>} : memref<8320xf32, #tpu.memory_space<vmem>>, vector<16xf32>,
          tpu.vector_store %arg9[%swap3A_475], %min3A {strides = array<i32>} : memref<8320xf32, #tpu.memory_space<vmem>>, vector<16xf32>,
          %gt3A_477 = arith.cmpf ogt, %min3A, %scan3A_335 : vector<16xf32>
          %select_n3A_478 = arith.select %gt3A_477, %min3A, %scan3A_335 : vector<16xi1>, vector<16xf32>
          %add3A_479 = arith.constant 0 : i32
          %add3A_480 = arith.addi %mul3A_462, %add3A_479 : i32
          %add3A_481 = vector.broadcast %add3A_480 : i32 to vector<16xi32>
          %add3A_482 = arith.addi %add3A_481, %iota3A : vector<16xi32>
          %select_n3A_483 = arith.select %gt3A_477, %add3A_482, %scan3A_336 : vector<16xi1>, vector<16xi32>
          %add3A_484 = arith.constant 16 : i32
          %add3A_485 = arith.addi %mul3A_462, %add3A_484 : i32
          %sub3A_486 = arith.subf %scan3A_338, %scan3A_152 : vector<16xf32>
          %sub3A_487 = arith.subf %scan3A_346, %scan3A_153 : vector<16xf32>
          %sub3A_488 = arith.subf %scan3A_354, %scan3A_154 : vector<16xf32>
          %mul3A_489 = arith.mulf %sub3A_486, %sub3A_486 : vector<16xf32>
          %mul3A_490 = arith.mulf %sub3A_487, %sub3A_487 : vector<16xf32>
          %add3A_491 = arith.addf %mul3A_489, %mul3A_490 : vector<16xf32>
          %mul3A_492 = arith.mulf %sub3A_488, %sub3A_488 : vector<16xf32>
          %add3A_493 = arith.addf %add3A_491, %mul3A_492 : vector<16xf32>
          %get3A_494 = arith.index_cast %add3A_485 : i32 to index
          %get3A_495 = tpu.vector_load %arg9[%get3A_494] {strides = array<i32>} : memref<8320xf32, #tpu.memory_space<vmem>>, vector<16xf32>,
          %min3A_496 = arith.minimumf %get3A_495, %add3A_493 : vector<16xf32>
          %swap3A_497 = arith.index_cast %add3A_485 : i32 to index
          %swap3A_498 = tpu.vector_load %arg9[%swap3A_497] {strides = array<i32>} : memref<8320xf32, #tpu.memory_space<vmem>>, vector<16xf32>,
          tpu.vector_store %arg9[%swap3A_497], %min3A_496 {strides = array<i32>} : memref<8320xf32, #tpu.memory_space<vmem>>, vector<16xf32>,
          %gt3A_499 = arith.cmpf ogt, %min3A_496, %select_n3A_478 : vector<16xf32>
          %select_n3A_500 = arith.select %gt3A_499, %min3A_496, %select_n3A_478 : vector<16xi1>, vector<16xf32>
          %add3A_501 = arith.constant 16 : i32
          %add3A_502 = arith.addi %mul3A_462, %add3A_501 : i32
          %add3A_503 = vector.broadcast %add3A_502 : i32 to vector<16xi32>
          %add3A_504 = arith.addi %add3A_503, %iota3A : vector<16xi32>
          %select_n3A_505 = arith.select %gt3A_499, %add3A_504, %select_n3A_483 : vector<16xi1>, vector<16xi32>
          %add3A_506 = arith.constant 32 : i32
          %add3A_507 = arith.addi %mul3A_462, %add3A_506 : i32
          %sub3A_508 = arith.subf %scan3A_339, %scan3A_152 : vector<16xf32>
          %sub3A_509 = arith.subf %scan3A_347, %scan3A_153 : vector<16xf32>
          %sub3A_510 = arith.subf %scan3A_355, %scan3A_154 : vector<16xf32>
          %mul3A_511 = arith.mulf %sub3A_508, %sub3A_508 : vector<16xf32>
          %mul3A_512 = arith.mulf %sub3A_509, %sub3A_509 : vector<16xf32>
          %add3A_513 = arith.addf %mul3A_511, %mul3A_512 : vector<16xf32>
          %mul3A_514 = arith.mulf %sub3A_510, %sub3A_510 : vector<16xf32>
          %add3A_515 = arith.addf %add3A_513, %mul3A_514 : vector<16xf32>
          %get3A_516 = arith.index_cast %add3A_507 : i32 to index
          %get3A_517 = tpu.vector_load %arg9[%get3A_516] {strides = array<i32>} : memref<8320xf32, #tpu.memory_space<vmem>>, vector<16xf32>,
          %min3A_518 = arith.minimumf %get3A_517, %add3A_515 : vector<16xf32>
          %swap3A_519 = arith.index_cast %add3A_507 : i32 to index
          %swap3A_520 = tpu.vector_load %arg9[%swap3A_519] {strides = array<i32>} : memref<8320xf32, #tpu.memory_space<vmem>>, vector<16xf32>,
          tpu.vector_store %arg9[%swap3A_519], %min3A_518 {strides = array<i32>} : memref<8320xf32, #tpu.memory_space<vmem>>, vector<16xf32>,
          %gt3A_521 = arith.cmpf ogt, %min3A_518, %select_n3A_500 : vector<16xf32>
          %select_n3A_522 = arith.select %gt3A_521, %min3A_518, %select_n3A_500 : vector<16xi1>, vector<16xf32>
          %add3A_523 = arith.constant 32 : i32
          %add3A_524 = arith.addi %mul3A_462, %add3A_523 : i32
          %add3A_525 = vector.broadcast %add3A_524 : i32 to vector<16xi32>
          %add3A_526 = arith.addi %add3A_525, %iota3A : vector<16xi32>
          %select_n3A_527 = arith.select %gt3A_521, %add3A_526, %select_n3A_505 : vector<16xi1>, vector<16xi32>
          %add3A_528 = arith.constant 48 : i32
          %add3A_529 = arith.addi %mul3A_462, %add3A_528 : i32
          %sub3A_530 = arith.subf %scan3A_340, %scan3A_152 : vector<16xf32>
          %sub3A_531 = arith.subf %scan3A_348, %scan3A_153 : vector<16xf32>
          %sub3A_532 = arith.subf %scan3A_356, %scan3A_154 : vector<16xf32>
          %mul3A_533 = arith.mulf %sub3A_530, %sub3A_530 : vector<16xf32>
          %mul3A_534 = arith.mulf %sub3A_531, %sub3A_531 : vector<16xf32>
          %add3A_535 = arith.addf %mul3A_533, %mul3A_534 : vector<16xf32>
          %mul3A_536 = arith.mulf %sub3A_532, %sub3A_532 : vector<16xf32>
          %add3A_537 = arith.addf %add3A_535, %mul3A_536 : vector<16xf32>
          %get3A_538 = arith.index_cast %add3A_529 : i32 to index
          %get3A_539 = tpu.vector_load %arg9[%get3A_538] {strides = array<i32>} : memref<8320xf32, #tpu.memory_space<vmem>>, vector<16xf32>,
          %min3A_540 = arith.minimumf %get3A_539, %add3A_537 : vector<16xf32>
          %swap3A_541 = arith.index_cast %add3A_529 : i32 to index
          %swap3A_542 = tpu.vector_load %arg9[%swap3A_541] {strides = array<i32>} : memref<8320xf32, #tpu.memory_space<vmem>>, vector<16xf32>,
          tpu.vector_store %arg9[%swap3A_541], %min3A_540 {strides = array<i32>} : memref<8320xf32, #tpu.memory_space<vmem>>, vector<16xf32>,
          %gt3A_543 = arith.cmpf ogt, %min3A_540, %select_n3A_522 : vector<16xf32>
          %select_n3A_544 = arith.select %gt3A_543, %min3A_540, %select_n3A_522 : vector<16xi1>, vector<16xf32>
          %add3A_545 = arith.constant 48 : i32
          %add3A_546 = arith.addi %mul3A_462, %add3A_545 : i32
          %add3A_547 = vector.broadcast %add3A_546 : i32 to vector<16xi32>
          %add3A_548 = arith.addi %add3A_547, %iota3A : vector<16xi32>
          %select_n3A_549 = arith.select %gt3A_543, %add3A_548, %select_n3A_527 : vector<16xi1>, vector<16xi32>
          %add3A_550 = arith.constant 64 : i32
          %add3A_551 = arith.addi %mul3A_462, %add3A_550 : i32
          %sub3A_552 = arith.subf %scan3A_341, %scan3A_152 : vector<16xf32>
          %sub3A_553 = arith.subf %scan3A_349, %scan3A_153 : vector<16xf32>
          %sub3A_554 = arith.subf %scan3A_357, %scan3A_154 : vector<16xf32>
          %mul3A_555 = arith.mulf %sub3A_552, %sub3A_552 : vector<16xf32>
          %mul3A_556 = arith.mulf %sub3A_553, %sub3A_553 : vector<16xf32>
          %add3A_557 = arith.addf %mul3A_555, %mul3A_556 : vector<16xf32>
          %mul3A_558 = arith.mulf %sub3A_554, %sub3A_554 : vector<16xf32>
          %add3A_559 = arith.addf %add3A_557, %mul3A_558 : vector<16xf32>
          %get3A_560 = arith.index_cast %add3A_551 : i32 to index
          %get3A_561 = tpu.vector_load %arg9[%get3A_560] {strides = array<i32>} : memref<8320xf32, #tpu.memory_space<vmem>>, vector<16xf32>,
          %min3A_562 = arith.minimumf %get3A_561, %add3A_559 : vector<16xf32>
          %swap3A_563 = arith.index_cast %add3A_551 : i32 to index
          %swap3A_564 = tpu.vector_load %arg9[%swap3A_563] {strides = array<i32>} : memref<8320xf32, #tpu.memory_space<vmem>>, vector<16xf32>,
          tpu.vector_store %arg9[%swap3A_563], %min3A_562 {strides = array<i32>} : memref<8320xf32, #tpu.memory_space<vmem>>, vector<16xf32>,
          %gt3A_565 = arith.cmpf ogt, %min3A_562, %select_n3A_544 : vector<16xf32>
          %select_n3A_566 = arith.select %gt3A_565, %min3A_562, %select_n3A_544 : vector<16xi1>, vector<16xf32>
          %add3A_567 = arith.constant 64 : i32
          %add3A_568 = arith.addi %mul3A_462, %add3A_567 : i32
          %add3A_569 = vector.broadcast %add3A_568 : i32 to vector<16xi32>
          %add3A_570 = arith.addi %add3A_569, %iota3A : vector<16xi32>
          %select_n3A_571 = arith.select %gt3A_565, %add3A_570, %select_n3A_549 : vector<16xi1>, vector<16xi32>
          %add3A_572 = arith.constant 80 : i32
          %add3A_573 = arith.addi %mul3A_462, %add3A_572 : i32
          %sub3A_574 = arith.subf %scan3A_342, %scan3A_152 : vector<16xf32>
          %sub3A_575 = arith.subf %scan3A_350, %scan3A_153 : vector<16xf32>
          %sub3A_576 = arith.subf %scan3A_358, %scan3A_154 : vector<16xf32>
          %mul3A_577 = arith.mulf %sub3A_574, %sub3A_574 : vector<16xf32>
          %mul3A_578 = arith.mulf %sub3A_575, %sub3A_575 : vector<16xf32>
          %add3A_579 = arith.addf %mul3A_577, %mul3A_578 : vector<16xf32>
          %mul3A_580 = arith.mulf %sub3A_576, %sub3A_576 : vector<16xf32>
          %add3A_581 = arith.addf %add3A_579, %mul3A_580 : vector<16xf32>
          %get3A_582 = arith.index_cast %add3A_573 : i32 to index
          %get3A_583 = tpu.vector_load %arg9[%get3A_582] {strides = array<i32>} : memref<8320xf32, #tpu.memory_space<vmem>>, vector<16xf32>,
          %min3A_584 = arith.minimumf %get3A_583, %add3A_581 : vector<16xf32>
          %swap3A_585 = arith.index_cast %add3A_573 : i32 to index
          %swap3A_586 = tpu.vector_load %arg9[%swap3A_585] {strides = array<i32>} : memref<8320xf32, #tpu.memory_space<vmem>>, vector<16xf32>,
          tpu.vector_store %arg9[%swap3A_585], %min3A_584 {strides = array<i32>} : memref<8320xf32, #tpu.memory_space<vmem>>, vector<16xf32>,
          %gt3A_587 = arith.cmpf ogt, %min3A_584, %select_n3A_566 : vector<16xf32>
          %select_n3A_588 = arith.select %gt3A_587, %min3A_584, %select_n3A_566 : vector<16xi1>, vector<16xf32>
          %add3A_589 = arith.constant 80 : i32
          %add3A_590 = arith.addi %mul3A_462, %add3A_589 : i32
          %add3A_591 = vector.broadcast %add3A_590 : i32 to vector<16xi32>
          %add3A_592 = arith.addi %add3A_591, %iota3A : vector<16xi32>
          %select_n3A_593 = arith.select %gt3A_587, %add3A_592, %select_n3A_571 : vector<16xi1>, vector<16xi32>
          %add3A_594 = arith.constant 96 : i32
          %add3A_595 = arith.addi %mul3A_462, %add3A_594 : i32
          %sub3A_596 = arith.subf %scan3A_343, %scan3A_152 : vector<16xf32>
          %sub3A_597 = arith.subf %scan3A_351, %scan3A_153 : vector<16xf32>
          %sub3A_598 = arith.subf %scan3A_359, %scan3A_154 : vector<16xf32>
          %mul3A_599 = arith.mulf %sub3A_596, %sub3A_596 : vector<16xf32>
          %mul3A_600 = arith.mulf %sub3A_597, %sub3A_597 : vector<16xf32>
          %add3A_601 = arith.addf %mul3A_599, %mul3A_600 : vector<16xf32>
          %mul3A_602 = arith.mulf %sub3A_598, %sub3A_598 : vector<16xf32>
          %add3A_603 = arith.addf %add3A_601, %mul3A_602 : vector<16xf32>
          %get3A_604 = arith.index_cast %add3A_595 : i32 to index
          %get3A_605 = tpu.vector_load %arg9[%get3A_604] {strides = array<i32>} : memref<8320xf32, #tpu.memory_space<vmem>>, vector<16xf32>,
          %min3A_606 = arith.minimumf %get3A_605, %add3A_603 : vector<16xf32>
          %swap3A_607 = arith.index_cast %add3A_595 : i32 to index
          %swap3A_608 = tpu.vector_load %arg9[%swap3A_607] {strides = array<i32>} : memref<8320xf32, #tpu.memory_space<vmem>>, vector<16xf32>,
          tpu.vector_store %arg9[%swap3A_607], %min3A_606 {strides = array<i32>} : memref<8320xf32, #tpu.memory_space<vmem>>, vector<16xf32>,
          %gt3A_609 = arith.cmpf ogt, %min3A_606, %select_n3A_588 : vector<16xf32>
          %select_n3A_610 = arith.select %gt3A_609, %min3A_606, %select_n3A_588 : vector<16xi1>, vector<16xf32>
          %add3A_611 = arith.constant 96 : i32
          %add3A_612 = arith.addi %mul3A_462, %add3A_611 : i32
          %add3A_613 = vector.broadcast %add3A_612 : i32 to vector<16xi32>
          %add3A_614 = arith.addi %add3A_613, %iota3A : vector<16xi32>
          %select_n3A_615 = arith.select %gt3A_609, %add3A_614, %select_n3A_593 : vector<16xi1>, vector<16xi32>
          %add3A_616 = arith.constant 112 : i32
          %add3A_617 = arith.addi %mul3A_462, %add3A_616 : i32
          %sub3A_618 = arith.subf %scan3A_344, %scan3A_152 : vector<16xf32>
          %sub3A_619 = arith.subf %scan3A_352, %scan3A_153 : vector<16xf32>
          %sub3A_620 = arith.subf %scan3A_360, %scan3A_154 : vector<16xf32>
          %mul3A_621 = arith.mulf %sub3A_618, %sub3A_618 : vector<16xf32>
          %mul3A_622 = arith.mulf %sub3A_619, %sub3A_619 : vector<16xf32>
          %add3A_623 = arith.addf %mul3A_621, %mul3A_622 : vector<16xf32>
          %mul3A_624 = arith.mulf %sub3A_620, %sub3A_620 : vector<16xf32>
          %add3A_625 = arith.addf %add3A_623, %mul3A_624 : vector<16xf32>
          %get3A_626 = arith.index_cast %add3A_617 : i32 to index
          %get3A_627 = tpu.vector_load %arg9[%get3A_626] {strides = array<i32>} : memref<8320xf32, #tpu.memory_space<vmem>>, vector<16xf32>,
          %min3A_628 = arith.minimumf %get3A_627, %add3A_625 : vector<16xf32>
          %swap3A_629 = arith.index_cast %add3A_617 : i32 to index
          %swap3A_630 = tpu.vector_load %arg9[%swap3A_629] {strides = array<i32>} : memref<8320xf32, #tpu.memory_space<vmem>>, vector<16xf32>,
          tpu.vector_store %arg9[%swap3A_629], %min3A_628 {strides = array<i32>} : memref<8320xf32, #tpu.memory_space<vmem>>, vector<16xf32>,
          %gt3A_631 = arith.cmpf ogt, %min3A_628, %select_n3A_610 : vector<16xf32>
          %select_n3A_632 = arith.select %gt3A_631, %min3A_628, %select_n3A_610 : vector<16xi1>, vector<16xf32>
          %add3A_633 = arith.constant 112 : i32
          %add3A_634 = arith.addi %mul3A_462, %add3A_633 : i32
          %add3A_635 = vector.broadcast %add3A_634 : i32 to vector<16xi32>
          %add3A_636 = arith.addi %add3A_635, %iota3A : vector<16xi32>
          %select_n3A_637 = arith.select %gt3A_631, %add3A_636, %select_n3A_615 : vector<16xi1>, vector<16xi32>
          scf.yield %select_n3A_632, %select_n3A_637, %get3A_368, %get3A_372, %get3A_376, %get3A_380, %get3A_384, %get3A_388, %get3A_392, %get3A_396, %get3A_400, %get3A_404, %get3A_408, %get3A_412, %get3A_416, %get3A_420, %get3A_424, %get3A_428, %get3A_432, %get3A_436, %get3A_440, %get3A_444, %get3A_448, %get3A_452, %get3A_456, %get3A_460 : vector<16xf32>, vector<16xi32>, vector<16xf32>, vector<16xf32>, vector<16xf32>, vector<16xf32>, vector<16xf32>, vector<16xf32>, vector<16xf32>, vector<16xf32>, vector<16xf32>, vector<16xf32>, vector<16xf32>, vector<16xf32>, vector<16xf32>, vector<16xf32>, vector<16xf32>, vector<16xf32>, vector<16xf32>, vector<16xf32>, vector<16xf32>, vector<16xf32>, vector<16xf32>, vector<16xf32>, vector<16xf32>, vector<16xf32>
        }
        %scan3A_221 = arith.constant 64 : i32
        %reduce_max3A = arith.constant true
        %reduce_max3A_222 = vector.broadcast %reduce_max3A : i1 to vector<16xi1>
        %reduce_max3A_223 = tpu.scan <max>, %scan3A_220#0 masked %reduce_max3A_222 : vector<16xf32>, vector<16xi1> -> vector<16xf32>
        %reduce_max3A_224 = vector.extract %reduce_max3A_223[15] : f32 from vector<16xf32>
        %eq3A_225 = vector.broadcast %reduce_max3A_224 : f32 to vector<16xf32>
        %eq3A_226 = arith.cmpf oeq, %scan3A_220#0, %eq3A_225 : vector<16xf32>
        %jit3A_227 = arith.constant 2147483647 : i32
        %broadcast_in_dim3A_228 = vector.broadcast %jit3A_227 : i32 to vector<16xi32>
        %select_n3A_229 = arith.select %eq3A_226, %scan3A_220#1, %broadcast_in_dim3A_228 : vector<16xi1>, vector<16xi32>
        %reduce_min3A = arith.constant true
        %reduce_min3A_230 = vector.broadcast %reduce_min3A : i1 to vector<16xi1>
        %reduce_min3A_231 = arith.constant -2147483648 : i32
        %reduce_min3A_232 = vector.broadcast %reduce_min3A_231 : i32 to vector<16xi32>
        %reduce_min3A_233 = arith.xori %select_n3A_229, %reduce_min3A_232 : vector<16xi32>
        %reduce_min3A_234 = tpu.scan <min>, %reduce_min3A_233 masked %reduce_min3A_230 : vector<16xi32>, vector<16xi1> -> vector<16xi32>
        %reduce_min3A_235 = arith.xori %reduce_min3A_234, %reduce_min3A_232 : vector<16xi32>
        %reduce_min3A_236 = vector.extract %reduce_min3A_235[15] : i32 from vector<16xi32>
        %add3A_237 = arith.addi %reduce_min3A_236, %mul3A_33 : i32
        %eq3A_238 = vector.broadcast %reduce_min3A_236 : i32 to vector<16xi32>
        %eq3A_239 = arith.cmpi eq, %scan3A_220#1, %eq3A_238 : vector<16xi32>
        %broadcast_in_dim3A_240 = arith.constant -3.400000e+38 : f32
        %broadcast_in_dim3A_241 = vector.broadcast %broadcast_in_dim3A_240 : f32 to vector<16xf32>
        %gather3A = tpu.vector_load_idx %arg6[%scan3A_220#1] : memref<8320xf32, #tpu.memory_space<vmem>>[vector<16xi32>], vector<16xf32>,
        %select_n3A_242 = arith.select %eq3A_239, %gather3A, %broadcast_in_dim3A_241 : vector<16xi1>, vector<16xf32>
        %reduce_max3A_243 = arith.constant true
        %reduce_max3A_244 = vector.broadcast %reduce_max3A_243 : i1 to vector<16xi1>
        %reduce_max3A_245 = tpu.scan <max>, %select_n3A_242 masked %reduce_max3A_244 : vector<16xf32>, vector<16xi1> -> vector<16xf32>
        %reduce_max3A_246 = vector.extract %reduce_max3A_245[15] : f32 from vector<16xf32>
        %gather3A_247 = tpu.vector_load_idx %arg7[%scan3A_220#1] : memref<8320xf32, #tpu.memory_space<vmem>>[vector<16xi32>], vector<16xf32>,
        %select_n3A_248 = arith.select %eq3A_239, %gather3A_247, %broadcast_in_dim3A_241 : vector<16xi1>, vector<16xf32>
        %reduce_max3A_249 = arith.constant true
        %reduce_max3A_250 = vector.broadcast %reduce_max3A_249 : i1 to vector<16xi1>
        %reduce_max3A_251 = tpu.scan <max>, %select_n3A_248 masked %reduce_max3A_250 : vector<16xf32>, vector<16xi1> -> vector<16xf32>
        %reduce_max3A_252 = vector.extract %reduce_max3A_251[15] : f32 from vector<16xf32>
        %gather3A_253 = tpu.vector_load_idx %arg8[%scan3A_220#1] : memref<8320xf32, #tpu.memory_space<vmem>>[vector<16xi32>], vector<16xf32>,
        %select_n3A_254 = arith.select %eq3A_239, %gather3A_253, %broadcast_in_dim3A_241 : vector<16xi1>, vector<16xf32>
        %reduce_max3A_255 = arith.constant true
        %reduce_max3A_256 = vector.broadcast %reduce_max3A_255 : i1 to vector<16xi1>
        %reduce_max3A_257 = tpu.scan <max>, %select_n3A_254 masked %reduce_max3A_256 : vector<16xf32>, vector<16xi1> -> vector<16xf32>
        %reduce_max3A_258 = vector.extract %reduce_max3A_257[15] : f32 from vector<16xf32>
        %jit3A_259 = arith.constant 2 : i32
        %eq3A_260 = arith.constant 0 : i32
        %eq3A_261 = arith.cmpi eq, %jit3A_259, %eq3A_260 : i32
        %jit3A_262 = arith.constant 1 : i32
        %select_n3A_263 = arith.select %eq3A_261, %jit3A_262, %jit3A_259 : i32
        %rem3A_264 = arith.remsi %add3A_159, %select_n3A_263 : i32
        %ne3A_265 = arith.constant 0 : i32
        %ne3A_266 = arith.cmpi ne, %rem3A_264, %ne3A_265 : i32
        %lt3A_267 = arith.constant 0 : i32
        %lt3A_268 = arith.cmpi slt, %rem3A_264, %lt3A_267 : i32
        %lt3A_269 = arith.constant 0 : i32
        %lt3A_270 = arith.cmpi slt, %select_n3A_263, %lt3A_269 : i32
        %ne3A_271 = arith.xori %lt3A_268, %lt3A_270 : i1
        %and3A_272 = arith.andi %ne3A_271, %ne3A_266 : i1
        %add3A_273 = arith.addi %rem3A_264, %select_n3A_263 : i32
        %select_n3A_274 = arith.select %and3A_272, %add3A_273, %rem3A_264 : i32
        %broadcast_in_dim3A_275 = vector.broadcast %add3A_237 : i32 to vector<16xi32>
        %bitcast3A = vector.bitcast %broadcast_in_dim3A_275 : vector<16xi32> to vector<16xf32>
        %eq3A_276 = arith.constant 0 : i32
        %eq3A_277 = vector.broadcast %eq3A_276 : i32 to vector<16xi32>
        %eq3A_278 = arith.cmpi eq, %iota3A, %eq3A_277 : vector<16xi32>
        %broadcast_in_dim3A_279 = vector.broadcast %reduce_max3A_224 : f32 to vector<16xf32>
        %eq3A_280 = arith.constant 1 : i32
        %eq3A_281 = vector.broadcast %eq3A_280 : i32 to vector<16xi32>
        %eq3A_282 = arith.cmpi eq, %iota3A, %eq3A_281 : vector<16xi32>
        %eq3A_283 = arith.constant 2 : i32
        %eq3A_284 = vector.broadcast %eq3A_283 : i32 to vector<16xi32>
        %eq3A_285 = arith.cmpi eq, %iota3A, %eq3A_284 : vector<16xi32>
        %broadcast_in_dim3A_286 = vector.broadcast %reduce_max3A_246 : f32 to vector<16xf32>
        %eq3A_287 = arith.constant 3 : i32
        %eq3A_288 = vector.broadcast %eq3A_287 : i32 to vector<16xi32>
        %eq3A_289 = arith.cmpi eq, %iota3A, %eq3A_288 : vector<16xi32>
        %broadcast_in_dim3A_290 = vector.broadcast %reduce_max3A_252 : f32 to vector<16xf32>
        %broadcast_in_dim3A_291 = vector.broadcast %reduce_max3A_258 : f32 to vector<16xf32>
        %select_n3A_292 = arith.select %eq3A_289, %broadcast_in_dim3A_290, %broadcast_in_dim3A_291 : vector<16xi1>, vector<16xf32>
        %select_n3A_293 = arith.select %eq3A_285, %broadcast_in_dim3A_286, %select_n3A_292 : vector<16xi1>, vector<16xf32>
        %select_n3A_294 = arith.select %eq3A_282, %bitcast3A, %select_n3A_293 : vector<16xi1>, vector<16xf32>
        %select_n3A_295 = arith.select %eq3A_278, %broadcast_in_dim3A_279, %select_n3A_294 : vector<16xi1>, vector<16xf32>
        %swap3A_296 = arith.constant 0 : index
        %swap3A_297 = tpu.vector_load %arg11[%swap3A_296] {strides = array<i32>} : memref<16xf32, #tpu.memory_space<vmem>>, vector<16xf32>,
        tpu.vector_store %arg11[%swap3A_296], %select_n3A_295 {strides = array<i32>} : memref<16xf32, #tpu.memory_space<vmem>>, vector<16xf32>,
        %mul3A_298 = arith.constant 256 : i32
        %mul3A_299 = arith.muli %select_n3A_274, %mul3A_298 : i32
        %mul3A_300 = arith.constant 16 : i32
        %mul3A_301 = arith.muli %arg1, %mul3A_300 : i32
        %add3A_302 = arith.addi %mul3A_299, %mul3A_301 : i32
        "tpu.region"() ({
          %run_scoped3A = tpu.sem_alloc : memref<!tpu.dma_semaphore, #tpu.memory_space<semaphore_mem>>
          %dma_start3A = tpu.memref_slice %arg13[%add3A_302] : memref<512xf32, #tpu.memory_space<vmem_shared>> -> memref<16xf32, #tpu.memory_space<vmem_shared>>
          %dma_start3A_334 = tpu.memref_slice %arg13[%add3A_302] : memref<512xf32, #tpu.memory_space<vmem_shared>> -> memref<16xf32, #tpu.memory_space<vmem_shared>>
          tpu.enqueue_dma source(%arg11 : memref<16xf32, #tpu.memory_space<vmem>>) target(%dma_start3A_334 : memref<16xf32, #tpu.memory_space<vmem_shared>>) target_semaphore(%run_scoped3A : memref<!tpu.dma_semaphore, #tpu.memory_space<semaphore_mem>>)
          %dma_wait3A = tpu.memref_slice %arg13[%add3A_302] : memref<512xf32, #tpu.memory_space<vmem_shared>> -> memref<16xf32, #tpu.memory_space<vmem_shared>>
          %dma_wait3A_335 = tpu.memref_slice %arg13[%add3A_302] : memref<512xf32, #tpu.memory_space<vmem_shared>> -> memref<16xf32, #tpu.memory_space<vmem_shared>>
          tpu.wait_dma2 semaphore(%run_scoped3A : memref<!tpu.dma_semaphore, #tpu.memory_space<semaphore_mem>>) src(%arg11 : memref<16xf32, #tpu.memory_space<vmem>>) dst(%dma_wait3A_335 : memref<16xf32, #tpu.memory_space<vmem_shared>>)
          tpu.yield
        }) : () -> ()
        %sc_fetch_and_add3A = arith.constant 1 : i32
        %sc_fetch_and_add3A_303 = arith.constant 0 : i32
        %sc_fetch_and_add3A_304 = tpu.fetch_and_add_sync %arg14[%sc_fetch_and_add3A_303], %sc_fetch_and_add3A, %xor3A_31 : memref<1xi32, #tpu.memory_space<smem>>, i32 -> i32
        %while3A = arith.constant 0 : i32
        %while3A_305 = scf.while (%while3A_334 = %while3A) : (i32) -> i32 {
          %le3A = arith.cmpi sle, %while3A_334, %add3A_159 : i32
          scf.condition(%le3A) %while3A_334 : i32
        } do {
        ^bb0(%while3A_334: i32):
          %sc_fetch_and_add3A_335 = arith.constant 0 : i32
          %sc_fetch_and_add3A_336 = arith.constant 0 : i32
          %sc_fetch_and_add3A_337 = tpu.fetch_and_add_sync %arg14[%sc_fetch_and_add3A_336], %sc_fetch_and_add3A_335, %arg1 : memref<1xi32, #tpu.memory_space<smem>>, i32 -> i32
          scf.yield %sc_fetch_and_add3A_337 : i32
        }
        %mul3A_306 = arith.constant 256 : i32
        %mul3A_307 = arith.muli %select_n3A_274, %mul3A_306 : i32
        %mul3A_308 = arith.constant 16 : i32
        %mul3A_309 = arith.muli %xor3A_31, %mul3A_308 : i32
        %add3A_310 = arith.addi %mul3A_307, %mul3A_309 : i32
        "tpu.region"() ({
          %run_scoped3A = tpu.sem_alloc : memref<!tpu.dma_semaphore, #tpu.memory_space<semaphore_mem>>
          %dma_start3A = tpu.memref_slice %arg13[%add3A_310] : memref<512xf32, #tpu.memory_space<vmem_shared>> -> memref<16xf32, #tpu.memory_space<vmem_shared>>
          %dma_start3A_334 = tpu.memref_slice %arg13[%add3A_310] : memref<512xf32, #tpu.memory_space<vmem_shared>> -> memref<16xf32, #tpu.memory_space<vmem_shared>>
          tpu.enqueue_dma source(%dma_start3A_334 : memref<16xf32, #tpu.memory_space<vmem_shared>>) target(%arg12 : memref<16xf32, #tpu.memory_space<vmem>>) target_semaphore(%run_scoped3A : memref<!tpu.dma_semaphore, #tpu.memory_space<semaphore_mem>>)
          %dma_wait3A = tpu.memref_slice %arg13[%add3A_310] : memref<512xf32, #tpu.memory_space<vmem_shared>> -> memref<16xf32, #tpu.memory_space<vmem_shared>>
          %dma_wait3A_335 = tpu.memref_slice %arg13[%add3A_310] : memref<512xf32, #tpu.memory_space<vmem_shared>> -> memref<16xf32, #tpu.memory_space<vmem_shared>>
          tpu.wait_dma2 semaphore(%run_scoped3A : memref<!tpu.dma_semaphore, #tpu.memory_space<semaphore_mem>>) src(%dma_wait3A_335 : memref<16xf32, #tpu.memory_space<vmem_shared>>) dst(%arg12 : memref<16xf32, #tpu.memory_space<vmem>>)
          tpu.yield
        }) : () -> ()
        %get3A_311 = arith.constant 0 : index
        %get3A_312 = tpu.vector_load %arg12[%get3A_311] {strides = array<i32>} : memref<16xf32, #tpu.memory_space<vmem>>, vector<16xf32>,
        %bitcast3A_313 = vector.bitcast %get3A_312 : vector<16xf32> to vector<16xi32>
        %slice3A_314 = vector.extract_strided_slice %get3A_312 {offsets = [0], sizes = [1], strides = [1]} : vector<16xf32> to vector<1xf32>
        %squeeze3A_315 = vector.extract %slice3A_314[0] : f32 from vector<1xf32>
        %slice3A_316 = vector.extract_strided_slice %bitcast3A_313 {offsets = [1], sizes = [1], strides = [1]} : vector<16xi32> to vector<1xi32>
        %squeeze3A_317 = vector.extract %slice3A_316[0] : i32 from vector<1xi32>
        %gt3A = arith.cmpf ogt, %squeeze3A_315, %reduce_max3A_224 : f32
        %eq3A_318 = arith.cmpf oeq, %squeeze3A_315, %reduce_max3A_224 : f32
        %lt3A_319 = arith.cmpi slt, %squeeze3A_317, %add3A_237 : i32
        %and3A_320 = arith.andi %eq3A_318, %lt3A_319 : i1
        %or3A = arith.ori %gt3A, %and3A_320 : i1
        %select_n3A_321 = arith.select %or3A, %squeeze3A_317, %add3A_237 : i32
        %slice3A_322 = vector.extract_strided_slice %get3A_312 {offsets = [2], sizes = [1], strides = [1]} : vector<16xf32> to vector<1xf32>
        %squeeze3A_323 = vector.extract %slice3A_322[0] : f32 from vector<1xf32>
        %select_n3A_324 = arith.select %or3A, %squeeze3A_323, %reduce_max3A_246 : f32
        %broadcast_in_dim3A_325 = vector.broadcast %select_n3A_324 : f32 to vector<16xf32>
        %slice3A_326 = vector.extract_strided_slice %get3A_312 {offsets = [3], sizes = [1], strides = [1]} : vector<16xf32> to vector<1xf32>
        %squeeze3A_327 = vector.extract %slice3A_326[0] : f32 from vector<1xf32>
        %select_n3A_328 = arith.select %or3A, %squeeze3A_327, %reduce_max3A_252 : f32
        %broadcast_in_dim3A_329 = vector.broadcast %select_n3A_328 : f32 to vector<16xf32>
        %slice3A_330 = vector.extract_strided_slice %get3A_312 {offsets = [4], sizes = [1], strides = [1]} : vector<16xf32> to vector<1xf32>
        %squeeze3A_331 = vector.extract %slice3A_330[0] : f32 from vector<1xf32>
        %select_n3A_332 = arith.select %or3A, %squeeze3A_331, %reduce_max3A_258 : f32
        %broadcast_in_dim3A_333 = vector.broadcast %select_n3A_332 : f32 to vector<16xf32>
        scf.yield %broadcast_in_dim3A_325, %broadcast_in_dim3A_329, %broadcast_in_dim3A_333, %select_n3A_321, %select_n3A_163 : vector<16xf32>, vector<16xf32>, vector<16xf32>, i32, vector<16xi32>
      }
      %scan3A_145 = arith.constant 16 : i32
      %eq3A_146 = arith.constant 0 : i32
      %eq3A_147 = arith.cmpi eq, %select_n3A_30, %eq3A_146 : i32
      %convert_element_type3A_148 = arith.extui %eq3A_147 : i1 to i32
      %cond3A_149 = arith.constant 0 : i32
      %cond3A_150 = arith.cmpi ne, %convert_element_type3A_148, %cond3A_149 : i32
      scf.if %cond3A_150 {
        %mul3A_151 = arith.constant 16 : i32
        %mul3A_152 = arith.muli %scan3A_133, %mul3A_151 : i32
        %swap3A_153 = arith.index_cast %mul3A_152 : i32 to index
        %swap3A_154 = tpu.vector_load %arg10[%swap3A_153] {strides = array<i32>} : memref<512xi32, #tpu.memory_space<vmem>>, vector<16xi32>,
        tpu.vector_store %arg10[%swap3A_153], %scan3A_144#4 {strides = array<i32>} : memref<512xi32, #tpu.memory_space<vmem>>, vector<16xi32>,
      } else {
      }
      scf.yield %scan3A_144#0, %scan3A_144#1, %scan3A_144#2, %scan3A_144#3 : vector<16xf32>, vector<16xf32>, vector<16xf32>, i32
    }
    %scan3A_129 = arith.constant 32 : i32
    %eq3A_130 = arith.constant 0 : i32
    %eq3A_131 = arith.cmpi eq, %select_n3A_30, %eq3A_130 : i32
    %convert_element_type3A = arith.extui %eq3A_131 : i1 to i32
    %cond3A = arith.constant 0 : i32
    %cond3A_132 = arith.cmpi ne, %convert_element_type3A, %cond3A : i32
    scf.if %cond3A_132 {
      "tpu.region"() ({
        %run_scoped3A = tpu.sem_alloc : memref<!tpu.dma_semaphore, #tpu.memory_space<semaphore_mem>>
        %dma_start3A = arith.constant 0 : i32
        %dma_start3A_133 = tpu.memref_slice %arg5[%add3A, %dma_start3A] : memref<16x512xi32, #tpu.memory_space<hbm>> -> memref<1x512xi32, #tpu.memory_space<hbm>>
        %dma_start3A_134 = tpu.memref_squeeze %dma_start3A_133 : memref<1x512xi32, #tpu.memory_space<hbm>> -> memref<512xi32, #tpu.memory_space<hbm>>
        %dma_start3A_135 = arith.constant 0 : i32
        %dma_start3A_136 = tpu.memref_slice %arg5[%add3A, %dma_start3A_135] : memref<16x512xi32, #tpu.memory_space<hbm>> -> memref<1x512xi32, #tpu.memory_space<hbm>>
        %dma_start3A_137 = tpu.memref_squeeze %dma_start3A_136 : memref<1x512xi32, #tpu.memory_space<hbm>> -> memref<512xi32, #tpu.memory_space<hbm>>
        tpu.enqueue_dma source(%arg10 : memref<512xi32, #tpu.memory_space<vmem>>) target(%dma_start3A_137 : memref<512xi32, #tpu.memory_space<hbm>>) target_semaphore(%run_scoped3A : memref<!tpu.dma_semaphore, #tpu.memory_space<semaphore_mem>>)
        %dma_wait3A = arith.constant 0 : i32
        %dma_wait3A_138 = tpu.memref_slice %arg5[%add3A, %dma_wait3A] : memref<16x512xi32, #tpu.memory_space<hbm>> -> memref<1x512xi32, #tpu.memory_space<hbm>>
        %dma_wait3A_139 = tpu.memref_squeeze %dma_wait3A_138 : memref<1x512xi32, #tpu.memory_space<hbm>> -> memref<512xi32, #tpu.memory_space<hbm>>
        %dma_wait3A_140 = arith.constant 0 : i32
        %dma_wait3A_141 = tpu.memref_slice %arg5[%add3A, %dma_wait3A_140] : memref<16x512xi32, #tpu.memory_space<hbm>> -> memref<1x512xi32, #tpu.memory_space<hbm>>
        %dma_wait3A_142 = tpu.memref_squeeze %dma_wait3A_141 : memref<1x512xi32, #tpu.memory_space<hbm>> -> memref<512xi32, #tpu.memory_space<hbm>>
        tpu.wait_dma2 semaphore(%run_scoped3A : memref<!tpu.dma_semaphore, #tpu.memory_space<semaphore_mem>>) src(%arg10 : memref<512xi32, #tpu.memory_space<vmem>>) dst(%dma_wait3A_142 : memref<512xi32, #tpu.memory_space<hbm>>)
        tpu.yield
      }) : () -> ()
    } else {
    }
    return
  }
}

</mosaic_0001>

<sc_bundles>
// kernel: kernel.3.cloned.1.call-start
scs
__scs_entry_jumppad:
0x0: {  	(pc) =	sbr.rel $0x88, $3  }
0x1: {  	(tag) =	ssettag $0x0;
	lr =	simm.s32 $0x1  }
0x2: {  	[smem:$0x3FA0] =	sst lr;
	_ =	strace $0xD0000000  }
0x3: {  	_ = 	snop  }
0x4: {  	_ = 	snop  }
0x5: {  	_ = 	snop  }
0x6: {  	_ = 	snop  }
0x7: {  	_ = 	snop  }
__scs_overlays_trampoline_lowered:
0x8: {  	[smem:$0x3FAF] =	sst s0  }
0x9: {  	[smem:$0x3FB0] =	sst s1  }
0xa: {  	[smem:$0x3FB1] =	sst s2  }
0xb: {  	[smem:$0x3FB2] =	sst s3  }
0xc: {  	[smem:$0x3FB3] =	sst s4  }
0xd: {  	[smem:$0x3FB4] =	sst s5  }
0xe: {  	[smem:$0x3FB5] =	sst s6  }
0xf: {  	[smem:$0x3FB6] =	sst s7  }
0x10: {  	[smem:$0x3FB7] =	sst s8  }
0x11: {  	[smem:$0x3FB8] =	sst s9;
	s0 =	simm.s32 @!p0 $0x0  }
0x12: {  	s1 =	sld [smem:$0x3F9E];
	s0 =	simm.s32 @p0 $0x1  }
0x13: {  	[smem:$0x3FB9] =	sst s0;
	s0 =	simm.s32 @!p1 $0x0  }
0x14: {  	s2 =	sld [smem:$0x3F9D];
	s0 =	simm.s32 @p1 $0x1  }
0x15: {  	[smem:$0x3FBA] =	sst s0;
	s0 =	simm.s32 @!p2 $0x0  }
0x16: {  	s3 =	sld [smem:$0x3FDB];
	s0 =	simm.s32 @p2 $0x1  }
0x17: {  	s4 =	simm.s32 $0x1BF5;
	[smem:$0x3FBC] =	sst s0  }
0x18: {  	s0 =	sld [smem:$0x3F9F];
	_ =	swait.ge [sflag:s4], $0x0  }
0x19: {  	s7 =	sld [smem:$0x3FA0]  }
0x1a: {  	s8 =	sadd.s32 $0xFFFFE003, lr  }
0x1b: {  	s9 =	sadd.s32 $0xFFFFFEF7, lr;
	s5 =	simm.s32 $0xFFFFFFFF;
	p2 =	slt.u32 s8, $0xFFFFF086  }
0x1c: {  	p1 =	slt.u32 s9, $0xF7A;
	s5 =	simm.s32 @!p2 $0x0  }
0x1d: {  	s5 =	simm.s32 @p1 $0x1;
	p0 =	seq.s32 s7, s2  }
0x1e: {  	s7 =	smul.u32 @!p0 $0xF7A, s2;
	p2 =	seq.s32 @!p0 s5, $0x0  }
0x1f: {  	s9 =	smul.u32 $0xF7A, s1;
	s8 =	simm.s32 @!p0 $0x1BF5;
	p2 =	por !p2, p0  }
0x20: {  	[sflag:s8] =	ssyncset.s32 @!p0 $0xFFFFF086;
	s6 =	sadd.s32 @!p0 s3, s7;
	s7 =	simm.s32 @!p0 $0x108  }
0x21: {  	s3 =	sadd.s32 s3, s9;
	s6 =	sadd.s32 @!p0 $0x88, s6;
	s7 =	simm.s32 @p2 $0x1082  }
0x22: {  	[simem:s7], [sflag:s8] =	dma.local @!p0 [hbm:s6], $0xF7A  }
0x23: {  	s9 =	sor.u32 $0xD0000000, s2;
	s6 =	simm.s32 $0x108;
	_ =	swait.ge @!p0 [sflag:s8], $0x0  }
0x24: {  	s3 =	sadd.s32 $0x88, s3;
	s6 =	simm.s32 @!p1 $0x1082;
	[sflag:s4] =	ssyncset.s32 $0xFFFFF086  }
0x25: {  	[simem:s6], [sflag:s4] =	dma.local [hbm:s3], $0xF7A  }
0x26: {  	[smem:$0x3FA0] =	sst s1;
	(tag) =	ssettag s2;
	_ =	strace s9  }
0x27: {  	s1 =	sld [smem:$0x3FB0]  }
0x28: {  	s2 =	sld [smem:$0x3FB1]  }
0x29: {  	s4 =	sld [smem:$0x3FB3]  }
0x2a: {  	p0 =	seq.s32 s5, $0x0;
	s5 =	sld [smem:$0x3FB4]  }
0x2b: {  	s6 =	sld [smem:$0x3FB5]  }
0x2c: {  	s7 =	sld [smem:$0x3FB6]  }
0x2d: {  	s3 =	simm.s32 $0x108;
	s8 =	sld [smem:$0x3FB7]  }
0x2e: {  	s3 =	simm.s32 @!p0 $0x1082;
	s9 =	sld [smem:$0x3FB8]  }
0x2f: {  	lr =	sadd.s32 s0, s3;
	s0 =	sld [smem:$0x3FAF]  }
0x30: {  	s3 =	sld [smem:$0x3FB2]  }
0x31: {  	[smem:$0x3FBB] =	sst s10  }
0x32: {  	s10 =	sld [smem:$0x3FB9];
	_ =	sdelay $0x3  }
0x33: {  	p0 =	seq.s32 s10, $0x1;
	s10 =	sld [smem:$0x3FBB];
	_ =	sdelay $0x3  }
0x34: {  	[smem:$0x3FBB] =	sst s10  }
0x35: {  	s10 =	sld [smem:$0x3FBA];
	_ =	sdelay $0x3  }
0x36: {  	p1 =	seq.s32 s10, $0x1;
	s10 =	sld [smem:$0x3FBB];
	_ =	sdelay $0x3  }
0x37: {  	[smem:$0x3FBB] =	sst s10  }
0x38: {  	s10 =	sld [smem:$0x3FBC]  }
0x39: {  	_ = 	snop;
	(pc) =	sbr.ind lr, $3  }
0x3a: {  	_ = 	snop  }
0x3b: {  	_ = 	snop  }
0x3c: {  	p2 =	seq.s32 s10, $0x1;
	s10 =	sld [smem:$0x3FBB]  }
0x3d: {  	_ =	shalt  }
0x3e: {  	_ =	shalt  }
0x3f: {  	_ =	shalt  }
0x40: {  	_ =	shalt  }
0x41: {  	_ =	shalt  }
0x42: {  	_ =	shalt  }
0x43: {  	_ =	shalt  }
0x44: {  	_ =	shalt  }
0x45: {  	_ =	shalt  }
0x46: {  	_ =	shalt  }
0x47: {  	_ =	shalt  }
0x48: {  	_ =	shalt  }
0x49: {  	_ =	shalt  }
0x4a: {  	_ =	shalt  }
0x4b: {  	_ =	shalt  }
0x4c: {  	_ =	shalt  }
0x4d: {  	_ =	shalt  }
0x4e: {  	_ =	shalt  }
0x4f: {  	_ =	shalt  }
0x50: {  	_ =	shalt  }
0x51: {  	_ =	shalt  }
0x52: {  	_ =	shalt  }
0x53: {  	_ =	shalt  }
0x54: {  	_ =	shalt  }
0x55: {  	_ =	shalt  }
0x56: {  	_ =	shalt  }
0x57: {  	_ =	shalt  }
0x58: {  	_ =	shalt  }
0x59: {  	_ =	shalt  }
0x5a: {  	_ =	shalt  }
0x5b: {  	_ =	shalt  }
0x5c: {  	_ =	shalt  }
0x5d: {  	_ =	shalt  }
0x5e: {  	_ =	shalt  }
0x5f: {  	_ =	shalt  }
0x60: {  	_ =	shalt  }
0x61: {  	_ =	shalt  }
0x62: {  	_ =	shalt  }
0x63: {  	_ =	shalt  }
0x64: {  	_ =	shalt  }
0x65: {  	_ =	shalt  }
0x66: {  	_ =	shalt  }
0x67: {  	_ =	shalt  }
0x68: {  	_ =	shalt  }
0x69: {  	_ =	shalt  }
0x6a: {  	_ =	shalt  }
0x6b: {  	_ =	shalt  }
0x6c: {  	_ =	shalt  }
0x6d: {  	_ =	shalt  }
0x6e: {  	_ =	shalt  }
0x6f: {  	_ =	shalt  }
0x70: {  	_ =	shalt  }
0x71: {  	_ =	shalt  }
0x72: {  	_ =	shalt  }
0x73: {  	_ =	shalt  }
0x74: {  	_ =	shalt  }
0x75: {  	_ =	shalt  }
0x76: {  	_ =	shalt  }
0x77: {  	_ =	shalt  }
0x78: {  	_ =	shalt  }
0x79: {  	_ =	shalt  }
0x7a: {  	_ =	shalt  }
0x7b: {  	_ =	shalt  }
0x7c: {  	_ =	shalt  }
0x7d: {  	_ =	shalt  }
0x7e: {  	_ =	shalt  }
0x7f: {  	_ =	shalt  }
0x80: {  	_ =	shalt  }
0x81: {  	_ =	shalt  }
0x82: {  	_ =	shalt  }
0x83: {  	_ =	shalt  }
0x84: {  	_ =	shalt  }
0x85: {  	_ =	shalt  }
0x86: {  	_ =	shalt  }
0x87: {  	_ =	shalt  }
.Lfunc_end0:
.L_simem_size_0:
called_computation_lowered:
.L_overlay_start_0:
0x88: {  	s2 =	sld [smem:$0x3FD9]  }
0x89: {  	s3 =	sld [smem:$0x3FFE];
	_ =	sdelay $0x1  }
0x8a: {  	s1 =	srdreg.scid  }
0x8b: {  	s0 =	sand.u32 $0x1, s1  }
0x8c: {  	s17 =	sshll.u32 s0, $0xA;
	s2 =	sadd.s32 s3, s2  }
0x8d: {  	s2 =	sadd.s32 s2, s17  }
0x8e: {  	[smem:$0x3FC7] =	sst s2  }
0x8f: {  	_ = 	snop  }
0x90: {  	s2 =	sld [smem:$0x3FD0];
	(tm) =	ssettm $0x1  }
0x91: {  	s18 =	sld [smem:$0x3FFB];
	_ =	sdelay $0x3  }
0x92: {  	_ =	strace s18  }
0x93: {  	s3 =	sld [smem:$0x3FFC];
	_ =	sdelay $0x3  }
0x94: {  	_ =	strace s3  }
0x95: {  	s3 =	sld [smem:$0x3FFD];
	_ =	sdelay $0x3  }
0x96: {  	_ =	strace s3  }
0x97: {  	_ =	strace $0x8FFFFFFF  }
0x98: {  	s19 =	sld [smem:$0x3FDB];
	_ =	sdelay $0x1  }
0x99: {  	s4 =	simm.s32 $_scs_section_size  }
0x9a: {  	s5 =	simm.s32 $_size__tile_overlayer_lowered;
	s6 =	simm.s32 $_tile_overlayer_lowered  }
0x9b: {  	s22 =	simm.s32 $0x1BFF;
	s21 =	sshll.u32 s6, $0x1;
	s3 =	sadd.s32 s4, s19  }
0x9c: {  	s7 =	simm.s32 $0x0;
	s20 =	sshll.u32 s5, $0x1;
	s5 =	sadd.s32 s21, s3  }
0x9d: {  	[timem:s7], [sflag:s22] =	dma.local [hbm:s5], s20  }
0x9e: {  	_ =	swait.ge [sflag:s22], s20  }
0x9f: {  	s4 =	ssub.s32 $0x0, s20;
	[sflag:s22] =	ssyncset.done $0x0  }
0xa0: {  	[sflag:s22] =	ssyncadd.s32 s4;
	_ =	sdelay $0x1  }
0xa1: {  	s23 =	simm.s32 $0x1B8B  }
0xa2: {  	_ =	swait.ge [sflag:s23], $0x1  }
0xa3: {  	[sflag:s23] =	ssyncset.done $0x0  }
0xa4: {  	s25 =	simm.s32 $0x1B8E;
	s24 =	sld [smem:$0x3FFE];
	[sflag:s23] =	ssyncadd.s32 $0xFFFFFFFF  }
0xa5: {  	s26 =	simm.s32 $execute0_lowered;
	[smem:$0x3FD2] =	sst s25  }
0xa6: {  	s5 =	sshll.u32 s26, $0x1;
	_ =	strace $0x80000046;
	[dreg:$0x1] =	wrdreg $0xFFFFFFFF  }
0xa7: {  	s28 =	simm.s32 $_size_execute0_lowered;
	s3 =	sadd.s32 s3, s5;
	[dreg:$0x0] =	wrdreg $0x0  }
0xa8: {  	s5 =	sshll.u32 s28, $0x1;
	[dreg:$0x2] =	wrdreg s3  }
0xa9: {  	[dreg:$0x3] =	wrdreg s5  }
0xaa: {  	[dreg:$0x4] =	wrdreg $0xC0  }
0xab: {  	_ =	task [dreg:s7], $0x5FFFF  }
0xac: {  	[dreg:$0x1] =	wrdreg $0xFFFFFFFF  }
0xad: {  	[dreg:$0x0] =	wrdreg $0x60  }
0xae: {  	[dreg:$0x2] =	wrdreg s24  }
0xaf: {  	[dreg:$0x3] =	wrdreg s2  }
0xb0: {  	[dreg:$0x4] =	wrdreg $0x85000  }
0xb1: {  	[dreg:$0x5] =	wrdreg $0x9  }
0xb2: {  	_ =	task.clear_ibuf [dreg:s7], $0x6FFFF;
	_ =	strace $0x90000046  }
0xb3: {  	s29 =	simm.s32 $0x9;
	_ =	strace $0x80000048  }
0xb4: {  	_ =	swait.ge [sflag:s29], $0x1  }
0xb5: {  	[sflag:s29] =	ssyncadd.s32 $0xFFFFFFFF  }
0xb6: {  	_ =	strace $0x90000048  }
0xb7: {  	_ =	sfence  }
0xb8: {  	s30 =	sld [smem:$0x0];
	_ =	sdelay $0x2  }
0xb9: {  	s31 =	sshll.u32 s1, $0xD;
	s1 =	sshrl.u32 s1, $0x2  }
0xba: {  	s3 =	sand.u32 $0x4000, s31;
	s1 =	sadd.s32 s1, s30  }
0xbb: {  	s0 =	sor.u32 s3, s0;
	s1 =	sshll.u32 s1, $0x11  }
0xbc: {  	s0 =	sor.u32 s1, s0  }
0xbd: {  	s0 =	sadd.s32 $0x8F2B, s0  }
0xbe: {  	[sflag:s0] =	ssyncadd.remote.s32 $0x1  }
0xbf: {  	_ =	sfence.sel $0xFFFF  }
0xc0: {  	[dreg:$0x0] =	wrdreg $0xFFFFFFFF;
	(pc) =	sbr.abs _section_cstart, $3  }
0xc1: {  	[dreg:$0x1] =	wrdreg $0xFFFFFFFF  }
0xc2: {  	_ =	task.clear_ibuf [dreg:s7], $0x2FFFF;
	_ =	strace $0x9FFFFFFF  }
0xc3: {  	(tm) =	ssettm $0x7FFFFFFF  }
tec
execute0_lowered:
.L_overlay_start_1:
0x0: {  	(tag) =	ssettag $0x1  }
0x1: {  	s0 =	rddreg [dreg:$0x0]  }
0x2: {  	s7 =	rddreg [dreg:$0x1]  }
0x3: {  	s1 =	rddreg [dreg:$0x2];
	s2 =	simm.s32 $0x0  }
0x4: {  	s4 =	srdreg.scid;
	s3 =	stileid.u32;
	s17 =	simm.s32 $0x1  }
0x5: {  	s18 =	simm.s32 $0x2080;
	s19 =	simm.s32 $0x4100;
	s20 =	simm.s32 $0x8400  }
0x6: {  	s21 =	simm.s32 $0x3;
	s22 =	simm.s32 $0x2;
	s24 =	simm.s32 $0x8480  }
0x7: {  	[smem:$0x7FF] =	sst s2;
	s8 =	sadd.s32 $0x10600, s0;
	s9 =	sand.u32 $0x1, s4  }
0x8: {  	s10 =	sadd.s32 $0x8600, s0;
	s11 =	sand.u32 $0x1, s3;
	s4 =	sshll.u32 s3, $0x6  }
0x9: {  	s0 =	sadd.s32 $0x600, s0;
	_ =	strace $0x80000047;
	s5 =	ssub.s32 $0x2, s9  }
0xa: {  	s12 =	sshll.u32 s9, $0x11;
	s6 =	sshll.u32 s11, $0x10;
	s14 =	sand.u32 $0x380, s4  }
0xb: {  	s9 =	sshll.u32 s9, $0xC;
	s6 =	sor.u32 s12, s6;
	s12 =	sor.u32 s12, s14  }
0xc: {  	p0 =	sne.s32 s11, $0x0;
	s13 =	sshrl.u32 s5, $0x1;
	s12 =	sshrl.u32 s12, $0x3  }
0xd: {  	s13 =	ssub.s32 s5, s13;
	s15 =	sor.u32 s14, s6;
	s28 =	sadd.s32 s10, s12  }
0xe: {  	s15 =	sshrl.u32 s15, $0x3;
	s31 =	smax.u32 s13, $0x1;
	[dreg:$0x8] =	wrdreg s28  }
0xf: {  	s29 =	sor.u32 s4, s9;
	s16 =	sadd.s32 s8, s15;
	[dreg:$0xb] =	wrdreg s31  }
0x10: {  	s5 =	sxor.u32 $0x1, s3;
	s25 =	sadd.s32 s10, s15;
	[dreg:$0x4] =	wrdreg s16  }
.Ltmp0:
0x11: {  	s26 =	sadd.s32 s0, s15;
	[dreg:$0x5] =	wrdreg s25;
	(pc) =	sbr.rel .LBB2_1-.Ltmp0, $4  }
0x12: {  	s6 =	sshll.u32 s11, $0xD;
	s8 =	sadd.s32 s8, s12;
	[dreg:$0x6] =	wrdreg s26  }
0x13: {  	v0 =	vimm.f32 $0.0e+00;
	s0 =	sadd.s32 s0, s12;
	[dreg:$0x7] =	wrdreg s8;
	s8 =	sshrl.u32 s29, $0x3  }
0x14: {  	v1 =	vimm.f32 $1.000000000e+10;
	v2 =	vlaneseq.u32;
	vm0 =	vcmask $0x3F10;
	s30 =	sshll.u32 s5, $0x6;
	[dreg:$0x9] =	wrdreg s0;
	s7 =	sadd.s32 s7, s8  }
0x15: {  	vm1 =	vcmask $0x3F0C;
	vm2 =	vcmask $0x3F08;
	vm3 =	vcmask $0x3F04;
	s23 =	sshrl.u32 s30, $0x2;
	s26 =	simm.s32 $0x0;
	[dreg:$0xa] =	wrdreg s7  }
.LBB2_13:
0x16: {  	s26 =	sadd.s32 $0x1, s26;
	s0 =	rddreg [dreg:$0xb]  }
0x17: {  	p1 =	sne.s32 s26, s0  }
.Ltmp1:
0x18: {  	_ = 	snop;
	(pc) =	sbr.rel @!p1 .LBB2_14-.Ltmp1, $1  }
0x19: {  	_ =	sdelay $0x3  }
.LBB2_1:
0x1a: {  	[smem:$0x0] =	sst s2  }
0x1b: {  	s0 =	rddreg [dreg:$0x4];
	s7 =	simm.s32 $0x80;
	s8 =	simm.s32 $0x400  }
0x1c: {  	[tilespmem:s2], [sflag:$0x1] =	stream.strided.gather [hbm4b:s0+s7], $0x2000, s8, s7, $0x38;
	[tilespmem:$0x8520] =	vst v63  }
0x1d: {  	_ =	swait.ge [sflag:s17], $0x2000  }
0x1e: {  	[sflag:s17] =	ssyncset.done $0x0  }
0x1f: {  	s30 =	rddreg [dreg:$0x5];
	[sflag:s17] =	ssyncadd.s32 $0xFFFFE000  }
0x20: {  	[tilespmem:s18], [sflag:$0x1] =	stream.strided.gather [hbm4b:s30+s7], $0x2000, s8, s7, $0x38;
	[tilespmem:$0x8520] =	vst v63  }
0x21: {  	_ =	swait.ge [sflag:s17], $0x2000  }
0x22: {  	[sflag:s17] =	ssyncset.done $0x0  }
0x23: {  	s31 =	rddreg [dreg:$0x6];
	[sflag:s17] =	ssyncadd.s32 $0xFFFFE000  }
0x24: {  	[tilespmem:s19], [sflag:$0x1] =	stream.strided.gather [hbm4b:s31+s7], $0x2000, s8, s7, $0x38;
	[tilespmem:$0x8520] =	vst v63  }
0x25: {  	_ =	swait.ge [sflag:s17], $0x2000  }
0x26: {  	[sflag:s17] =	ssyncset.done $0x0  }
0x27: {  	[sflag:s17] =	ssyncadd.s32 $0xFFFFE000  }
0x28: {  	[tilespmem:$0x2000] =	vst v0  }
0x29: {  	[tilespmem:$0x4080] =	vst v0  }
0x2a: {  	[tilespmem:$0x6100] =	vst v0  }
0x2b: {  	[tilespmem:$0x8180] =	vst v0  }
0x2c: {  	[tilespmem:$0x2010] =	vst v0  }
0x2d: {  	[tilespmem:$0x4090] =	vst v0  }
0x2e: {  	[tilespmem:$0x6110] =	vst v0  }
0x2f: {  	[tilespmem:$0x8190] =	vst v0  }
0x30: {  	[tilespmem:$0x2020] =	vst v0  }
0x31: {  	[tilespmem:$0x40A0] =	vst v0  }
0x32: {  	[tilespmem:$0x6120] =	vst v0  }
0x33: {  	[tilespmem:$0x81A0] =	vst v0  }
0x34: {  	[tilespmem:$0x2030] =	vst v0  }
0x35: {  	[tilespmem:$0x40B0] =	vst v0  }
0x36: {  	[tilespmem:$0x6130] =	vst v0  }
0x37: {  	[tilespmem:$0x81B0] =	vst v0  }
0x38: {  	[tilespmem:$0x2040] =	vst v0  }
0x39: {  	[tilespmem:$0x40C0] =	vst v0  }
0x3a: {  	[tilespmem:$0x6140] =	vst v0  }
0x3b: {  	[tilespmem:$0x81C0] =	vst v0  }
0x3c: {  	[tilespmem:$0x2050] =	vst v0  }
0x3d: {  	[tilespmem:$0x40D0] =	vst v0  }
0x3e: {  	[tilespmem:$0x6150] =	vst v0  }
0x3f: {  	[tilespmem:$0x81D0] =	vst v0  }
0x40: {  	[tilespmem:$0x2060] =	vst v0  }
0x41: {  	[tilespmem:$0x40E0] =	vst v0  }
0x42: {  	[tilespmem:$0x6160] =	vst v0  }
0x43: {  	[tilespmem:$0x81E0] =	vst v0  }
0x44: {  	[tilespmem:$0x2070] =	vst v0  }
0x45: {  	[tilespmem:$0x40F0] =	vst v0  }
0x46: {  	[tilespmem:$0x6170] =	vst v0  }
0x47: {  	s0 =	simm.s32 $0x0;
	[tilespmem:$0x81F0] =	vst v0  }
0x48: {  	v3 =	vld [tilespmem:s0+$0x0]  }
0x49: {  	v4 =	vld [tilespmem:s0+$0x2080];
	_ =	sdelay $0x2  }
0x4a: {  	v5 =	vld [tilespmem:s0+$0x4100];
	_ =	sdelay $0x1  }
0x4b: {  	s7 =	simm.s32 $0x10;
	v6 =	vmul.f32 v3, v3;
	v4 =	vmul.f32 v4, v4  }
0x4c: {  	v3 =	vld [tilespmem:s7+$0x0]  }
0x4d: {  	v6 =	vadd.f32 v4, v6;
	v4 =	vld [tilespmem:s7+$0x2080]  }
0x4e: {  	v7 =	vmul.f32 v5, v5  }
0x4f: {  	v5 =	vld [tilespmem:s7+$0x4100]  }
0x50: {  	s8 =	simm.s32 $0x80;
	v6 =	vadd.f32 v7, v6  }
.LBB2_2:
0x51: {  	s9 =	sshra.s32 s8, $0x2;
	p1 =	sne.s32 s8, $0x7FC0  }
.Ltmp2:
0x52: {  	s8 =	sadd.s32 $0x40, s8;
	v7 =	vmul.f32 v3, v3;
	v3 =	vld [tilespmem:s9+$0x0];
	v8 =	vmul.f32 v4, v4;
	vm4 =	vle.f32 v6, $1.000000050e-03;
	(pc) =	sbr.rel @p1 .LBB2_2-.Ltmp2, $4  }
0x53: {  	v4 =	vld [tilespmem:s9+$0x2080];
	v6 =	vsel vm4, $0xD01502F9, v1  }
0x54: {  	v7 =	vadd.f32 v8, v7;
	v8 =	vmul.f32 v5, v5;
	[tilespmem:s0+$0x6180] =	vst v6;
	s0 =	smov.u32 s7;
	s7 =	smov.u32 s9  }
0x55: {  	v5 =	vld [tilespmem:s7+$0x4100]  }
0x56: {  	v6 =	vadd.f32 v8, v7  }
0x57: {  	_ = 	snop  }
0x58: {  	v3 =	vmul.f32 v3, v3;
	v4 =	vmul.f32 v4, v4;
	_ =	sdelay $0x1  }
0x59: {  	v3 =	vadd.f32 v4, v3;
	v4 =	vmul.f32 v5, v5;
	_ =	sdelay $0x1  }
0x5a: {  	v3 =	vadd.f32 v4, v3  }
0x5b: {  	vm4 =	vle.f32 v6, $1.000000050e-03  }
0x5c: {  	v4 =	vsel vm4, $0xD01502F9, v1;
	vm4 =	vle.f32 v3, $1.000000050e-03  }
0x5d: {  	[tilespmem:s0+$0x6180] =	vst v4;
	v3 =	vsel vm4, $0xD01502F9, v1  }
0x5e: {  	s29 =	rddreg [dreg:$0x7];
	s0 =	simm.s32 $0x0;
	[tilespmem:s7+$0x6180] =	vst v3  }
0x5f: {  	[tilespmem:s20], [sflag:$0x1] =	stream.linear.gather [hbm4b:s29+s0], $0x10, $0x38;
	[tilespmem:$0x8520] =	vst v63  }
0x60: {  	_ =	swait.ge [sflag:s17], $0x10  }
0x61: {  	[sflag:s17] =	ssyncset.done $0x0  }
0x62: {  	s30 =	rddreg [dreg:$0x8];
	[sflag:s17] =	ssyncadd.s32 $0xFFFFFFF0  }
0x63: {  	v5 =	vld.msk [tilespmem:$0x8400 ss:$0x0], $0xffff;
	[tilespmem:s20], [sflag:$0x1] =	stream.linear.gather [hbm4b:s30+s0], $0x10, $0x38  }
0x64: {  	_ =	swait.ge [sflag:s17], $0x10  }
0x65: {  	[sflag:s17] =	ssyncset.done $0x0  }
0x66: {  	s31 =	rddreg [dreg:$0x9];
	[sflag:s17] =	ssyncadd.s32 $0xFFFFFFF0  }
0x67: {  	v6 =	vld.msk [tilespmem:$0x8400 ss:$0x0], $0xffff;
	[tilespmem:s20], [sflag:$0x1] =	stream.linear.gather [hbm4b:s31+s0], $0x10, $0x38  }
0x68: {  	_ =	swait.ge [sflag:s17], $0x10  }
0x69: {  	[sflag:s17] =	ssyncset.done $0x0  }
0x6a: {  	[sflag:s17] =	ssyncadd.s32 $0xFFFFFFF0  }
.Ltmp3:
0x6b: {  	v7 =	vld.msk [tilespmem:$0x8400 ss:$0x0], $0xffff;
	(pc) =	sbr.rel .LBB2_4-.Ltmp3, $2  }
0x6c: {  	_ =	sdelay $0x2  }
0x6d: {  	s28 =	simm.s32 $0x0  }
.LBB2_15:
0x6e: {  	p1 =	seq.s32 s7, $0x20  }
.Ltmp4:
0x6f: {  	_ = 	snop;
	(pc) =	sbr.rel @p1 .LBB2_13-.Ltmp4, $2  }
0x70: {  	_ =	sdelay $0x2  }
0x71: {  	s28 =	smov.u32 s7  }
.LBB2_4:
0x72: {  	s29 =	sshll.u32 s28, $0x4;
	v4 =	vimm.s32 $0x0;
	v3 =	vimm.s32 $0x0;
	s31 =	smov.u32 s0;
	s30 =	simm.s32 $0x0  }
.LBB2_5:
0x73: {  	v17 =	vld [tilespmem:$0x0]  }
0x74: {  	v18 =	vld [tilespmem:$0x10]  }
0x75: {  	v12 =	vld [tilespmem:$0x20]  }
0x76: {  	v8 =	vld [tilespmem:$0x30]  }
0x77: {  	v13 =	vld [tilespmem:$0x40]  }
0x78: {  	v9 =	vld [tilespmem:$0x50]  }
0x79: {  	v10 =	vld [tilespmem:$0x60]  }
0x7a: {  	v14 =	vld [tilespmem:$0x70]  }
0x7b: {  	v16 =	vld [tilespmem:$0x2080]  }
0x7c: {  	v15 =	vld [tilespmem:$0x2090]  }
0x7d: {  	v19 =	vld [tilespmem:$0x20A0]  }
0x7e: {  	v20 =	vld [tilespmem:$0x20B0]  }
0x7f: {  	v21 =	vld [tilespmem:$0x20C0]  }
0x80: {  	v22 =	vld [tilespmem:$0x20D0]  }
0x81: {  	v23 =	vld [tilespmem:$0x20E0]  }
0x82: {  	v11 =	vld [tilespmem:$0x20F0]  }
0x83: {  	v24 =	vld [tilespmem:$0x4100]  }
0x84: {  	v25 =	vld [tilespmem:$0x4110]  }
0x85: {  	v26 =	vld [tilespmem:$0x4120]  }
0x86: {  	v27 =	vld [tilespmem:$0x4130]  }
0x87: {  	v28 =	vld [tilespmem:$0x4140]  }
0x88: {  	v29 =	vld [tilespmem:$0x4150]  }
0x89: {  	v30 =	vld [tilespmem:$0x4160]  }
0x8a: {  	s0 =	simm.s32 $0x61C0;
	v31 =	vld [tilespmem:$0x4170]  }
0x8b: {  	v33 =	vld [tilespmem:s0+$0x0]  }
0x8c: {  	v35 =	vld [tilespmem:s0+$0xFFFFFFF0]  }
0x8d: {  	v32 =	vld [tilespmem:s0+$0xFFFFFFE0]  }
0x8e: {  	v36 =	vld [tilespmem:s0+$0xFFFFFFD0];
	v37 =	vsub.f32 v30, v7;
	v30 =	vsub.f32 v9, v5  }
0x8f: {  	v43 =	vld [tilespmem:s0+$0x20];
	v34 =	vsub.f32 v11, v6;
	v38 =	vsub.f32 v8, v5  }
0x90: {  	v49 =	vld [tilespmem:s0+$0xFFFFFFC0];
	v39 =	vsub.f32 v14, v5;
	v40 =	vsub.f32 v15, v6  }
0x91: {  	v63 =	vld [tilespmem:s0+$0x30];
	v14 =	vsub.f32 v23, v6;
	v29 =	vsub.f32 v29, v7  }
0x92: {  	s7 =	simm.s32 $0xF0;
	s14 =	simm.s32 $0x10;
	v58 =	vld [tilespmem:s0+$0x10];
	v41 =	vsub.f32 v10, v5;
	v42 =	vsub.f32 v16, v6  }
0x93: {  	s25 =	simm.s32 $0x41F0;
	s15 =	simm.s32 $0x0;
	v56 =	vor.u32 s14, v2;
	v11 =	vld [tilespmem:s7+$0xFFFFFF90];
	v22 =	vsub.f32 v22, v6;
	v44 =	vsub.f32 v12, v5  }
0x94: {  	v61 =	vor.u32 s15, v2;
	v8 =	vld [tilespmem:s25+$0x0];
	v21 =	vsub.f32 v21, v6;
	v28 =	vsub.f32 v28, v7  }
0x95: {  	v15 =	vld [tilespmem:s25+$0xFFFFFFF0];
	v23 =	vimm.f32 $-3.399999950e+38;
	v27 =	vsub.f32 v27, v7;
	v46 =	vsub.f32 v13, v5  }
0x96: {  	s13 =	simm.s32 $0x2170;
	v9 =	vld [tilespmem:s7+$0xFFFFFFF0];
	v19 =	vsub.f32 v19, v6;
	v47 =	vsub.f32 v20, v6;
	v34 =	vmul.f32 v34, v34  }
0x97: {  	v10 =	vld [tilespmem:s13+$0xFFFFFF90];
	v17 =	vsub.f32 v17, v5;
	v29 =	vmul.f32 v29, v29;
	v45 =	vmul.f32 v14, v14  }
0x98: {  	v16 =	vld [tilespmem:s7+$0xFFFFFFC0];
	v18 =	vsub.f32 v18, v5;
	v22 =	vmul.f32 v22, v22;
	v30 =	vmul.f32 v30, v30  }
0x99: {  	v12 =	vld [tilespmem:s25+$0xFFFFFFD0];
	v24 =	vsub.f32 v24, v7;
	v40 =	vmul.f32 v40, v40;
	v48 =	vmul.f32 v28, v28  }
0x9a: {  	v13 =	vld [tilespmem:s7+$0xFFFFFFD0];
	v62 =	vsub.f32 v25, v7;
	v28 =	vmul.f32 v21, v21;
	v18 =	vmul.f32 v18, v18  }
0x9b: {  	v20 =	vld [tilespmem:s7+$0x0];
	v26 =	vsub.f32 v26, v7;
	v19 =	vmul.f32 v19, v19;
	v44 =	vmul.f32 v44, v44  }
0x9c: {  	v25 =	vld [tilespmem:s13+$0x0];
	v31 =	vsub.f32 v31, v7;
	v38 =	vmul.f32 v38, v38;
	v51 =	vmul.f32 v24, v24  }
0x9d: {  	v14 =	vld [tilespmem:s25+$0xFFFFFFE0];
	v39 =	vmul.f32 v39, v39;
	v52 =	vmul.f32 v46, v46;
	v22 =	vadd.f32 v22, v30  }
0x9e: {  	v21 =	vld [tilespmem:s13+$0xFFFFFFA0];
	v54 =	vmul.f32 v31, v31;
	v30 =	vmul.f32 v17, v17;
	v40 =	vadd.f32 v40, v18  }
0x9f: {  	v31 =	vld [tilespmem:s13+$0xFFFFFFE0];
	v24 =	vadd.f32 v19, v44;
	v50 =	vadd.f32 v29, v22;
	v29 =	vmul.f32 v42, v42  }
0xa0: {  	v26 =	vmul.f32 v26, v26;
	v17 =	vld [tilespmem:s13+$0xFFFFFFB0];
	v53 =	vadd.f32 v34, v39;
	v44 =	vadd.f32 v28, v52  }
0xa1: {  	v18 =	vld [tilespmem:s25+$0xFFFFFF90];
	v28 =	vmul.f32 v41, v41;
	v22 =	vmul.f32 v47, v47;
	v29 =	vadd.f32 v29, v30  }
0xa2: {  	v19 =	vld [tilespmem:s25+$0xFFFFFFB0];
	v42 =	vmul.f32 v62, v62;
	v26 =	vadd.f32 v26, v24;
	v55 =	vadd.f32 v54, v53  }
0xa3: {  	v27 =	vmul.f32 v27, v27;
	v34 =	vld [tilespmem:s13+$0xFFFFFFF0];
	v38 =	vadd.f32 v22, v38;
	v29 =	vadd.f32 v51, v29  }
0xa4: {  	s8 =	simm.s32 $0x30;
	v37 =	vmul.f32 v37, v37;
	v41 =	vld [tilespmem:s7+$0xFFFFFFB0];
	v57 =	vadd.f32 v45, v28;
	v40 =	vadd.f32 v42, v40  }
0xa5: {  	v24 =	vld [tilespmem:s25+$0xFFFFFFC0];
	v30 =	vor.u32 s8, v2;
	v27 =	vadd.f32 v27, v38;
	v39 =	vmin.f32 v49, v29  }
0xa6: {  	v28 =	vld [tilespmem:s7+$0xFFFFFFA0];
	v26 =	vmin.f32 v32, v26;
	v40 =	vmin.f32 v36, v40;
	vm4 =	vgt.f32 v39, v23  }
0xa7: {  	v22 =	vld [tilespmem:s25+$0xFFFFFFA0];
	v29 =	vmin.f32 v35, v27;
	v27 =	vadd.f32 v48, v44;
	v60 =	vsel vm4, v39, v23  }
0xa8: {  	v32 =	vld [tilespmem:s13+$0xFFFFFFD0];
	v59 =	vadd.f32 v37, v57;
	v23 =	vmin.f32 v63, v55;
	vm5 =	vgt.f32 v40, v60  }
0xa9: {  	s9 =	simm.s32 $0x20;
	v44 =	vld [tilespmem:s7+$0xFFFFFFE0];
	v42 =	vmin.f32 v33, v27;
	v62 =	vsel vm4, v61, v4;
	v37 =	vsel vm5, v40, v60  }
0xaa: {  	v38 =	vld [tilespmem:s13+$0xFFFFFFC0];
	[tilespmem:s0+$0xFFFFFFE0] =	vst v26;
	v27 =	vmin.f32 v43, v59;
	v63 =	vor.u32 s9, v2;
	vm4 =	vgt.f32 v26, v37  }
0xab: {  	s16 =	simm.s32 $0x50;
	s11 =	simm.s32 $0x40;
	s10 =	simm.s32 $0x6240;
	v43 =	vmin.f32 v58, v50;
	[tilespmem:s0+$0x0] =	vst v42;
	v33 =	vsel vm5, v56, v62;
	v36 =	vsel vm4, v26, v37  }
0xac: {  	s8 =	simm.s32 $0xF0;
	s7 =	simm.s32 $0x70;
	s9 =	simm.s32 $0x170;
	[tilespmem:s0+$0x10] =	vst v43;
	v35 =	vsel vm4, v63, v33;
	v37 =	vor.u32 s16, v2;
	vm4 =	vgt.f32 v29, v36  }
.LBB2_6:
0xad: {  	v26 =	vld [tilespmem:s10+$0x0];
	v33 =	vsub.f32 v15, v7;
	p1 =	sne.s32 s8, $0x1FF0;
	v15 =	vsel vm4, v29, v36;
	v45 =	vor.u32 s11, v2;
	[tilespmem:s0+$0x30] =	vst v23;
	s25 =	sadd.s32 $0x80, s25;
	s13 =	sadd.s32 $0x80, s13;
	v46 =	vmovc v11  }
0xae: {  	v11 =	vsel vm4, v30, v35;
	s12 =	smov.u32 s8;
	s8 =	sadd.s32 $0x80, s8;
	v36 =	vld [tilespmem:s10+$0xFFFFFFF0];
	v44 =	vsub.f32 v44, v5;
	[tilespmem:s0+$0xFFFFFFC0] =	vst v39;
	vm4 =	vgt.f32 v42, v15  }
0xaf: {  	v25 =	vsub.f32 v25, v6;
	v39 =	vld [tilespmem:s10+$0xFFFFFFE0];
	[tilespmem:s0+$0xFFFFFFD0] =	vst v40;
	v15 =	vsel vm4, v42, v15;
	v30 =	vsel vm4, v45, v11  }
0xb0: {  	s11 =	sadd.s32 $0xFFFFFFB0, s12;
	v42 =	vsub.f32 v16, v5;
	v45 =	vsub.f32 v20, v5;
	v40 =	vld [tilespmem:s10+$0xFFFFFFD0];
	vm5 =	vgt.f32 v43, v15;
	[tilespmem:s0+$0x20] =	vst v27  }
0xb1: {  	s14 =	sadd.s32 $0xFFFFFF90, s12;
	v20 =	vsub.f32 v21, v6;
	v16 =	vsub.f32 v34, v6;
	v35 =	vld [tilespmem:s10+$0x20];
	[tilespmem:s0+$0xFFFFFFF0] =	vst v29;
	v29 =	vsel vm5, v43, v15;
	s0 =	smov.u32 s10  }
0xb2: {  	v14 =	vsub.f32 v14, v7;
	s15 =	sadd.s32 $0xFFFFFFA0, s12;
	v34 =	vmovc v8;
	v43 =	vsub.f32 v9, v5;
	v11 =	vld [tilespmem:s9+$0xFFFFFF90];
	vm4 =	vgt.f32 v27, v29  }
0xb3: {  	v47 =	vsub.f32 v10, v6;
	v10 =	vsub.f32 v31, v6;
	v31 =	vmul.f32 v25, v25;
	v8 =	vld [tilespmem:s25+$0x0]  }
0xb4: {  	v25 =	vsub.f32 v41, v5;
	v21 =	vmul.f32 v14, v14;
	v41 =	vmul.f32 v16, v16;
	v15 =	vld [tilespmem:s25+$0xFFFFFFF0]  }
0xb5: {  	v32 =	vsub.f32 v32, v6;
	v12 =	vsub.f32 v12, v7;
	v48 =	vmul.f32 v10, v10;
	v9 =	vld [tilespmem:s9+$0xFFFFFFF0]  }
0xb6: {  	v24 =	vsub.f32 v24, v7;
	v49 =	vsub.f32 v13, v5;
	v13 =	vmul.f32 v44, v44;
	v10 =	vld [tilespmem:s13+$0xFFFFFF90]  }
0xb7: {  	v17 =	vsub.f32 v17, v6;
	v38 =	vsub.f32 v38, v6;
	v44 =	vmul.f32 v20, v20;
	v16 =	vld [tilespmem:s9+$0xFFFFFFC0]  }
0xb8: {  	v20 =	vsub.f32 v46, v5;
	v46 =	vmul.f32 v12, v12;
	v48 =	vadd.f32 v48, v13;
	v14 =	vld [tilespmem:s25+$0xFFFFFFE0]  }
0xb9: {  	v28 =	vsub.f32 v28, v5;
	v24 =	vmul.f32 v24, v24;
	v32 =	vmul.f32 v32, v32;
	v12 =	vld [tilespmem:s25+$0xFFFFFFD0]  }
0xba: {  	v18 =	vsub.f32 v18, v7;
	v50 =	vmul.f32 v20, v20;
	v48 =	vadd.f32 v21, v48;
	v13 =	vld [tilespmem:s9+$0xFFFFFFD0]  }
0xbb: {  	v22 =	vsub.f32 v22, v7;
	v28 =	vmul.f32 v28, v28;
	v38 =	vmul.f32 v38, v38;
	v20 =	vld [tilespmem:s9+$0x0]  }
0xbc: {  	v47 =	vmul.f32 v47, v47;
	v51 =	vmul.f32 v18, v18;
	v18 =	vsel vm4, v27, v29;
	v21 =	vld [tilespmem:s13+$0xFFFFFFA0]  }
0xbd: {  	v29 =	vmul.f32 v22, v22;
	v22 =	vmul.f32 v17, v17;
	vm6 =	vgt.f32 v23, v18;
	v27 =	vld [tilespmem:s10+$0xFFFFFFC0]  }
0xbe: {  	v19 =	vsub.f32 v19, v7;
	v52 =	vmul.f32 v25, v25;
	v53 =	vsel vm6, v23, v18;
	v17 =	vld [tilespmem:s13+$0xFFFFFFB0]  }
0xbf: {  	v37 =	vsel vm5, v37, v30;
	v23 =	vadd.f32 v44, v28;
	v28 =	vmul.f32 v42, v42;
	v42 =	vld [tilespmem:s10+$0x30]  }
0xc0: {  	v19 =	vmul.f32 v19, v19;
	v30 =	vadd.f32 v22, v52;
	v44 =	vmul.f32 v45, v45;
	v25 =	vld [tilespmem:s13+$0x0]  }
0xc1: {  	s16 =	sadd.s32 $0xFFFFFFC0, s12;
	v34 =	vsub.f32 v34, v7;
	v28 =	vadd.f32 v38, v28;
	v38 =	vmul.f32 v49, v49;
	v18 =	vld [tilespmem:s25+$0xFFFFFF90]  }
0xc2: {  	v45 =	vadd.f32 v47, v50;
	v47 =	vadd.f32 v19, v30;
	v30 =	vor.u32 s16, v2;
	v22 =	vld [tilespmem:s25+$0xFFFFFFA0]  }
0xc3: {  	v31 =	vadd.f32 v31, v44;
	v44 =	vmul.f32 v34, v34;
	v28 =	vadd.f32 v24, v28;
	v19 =	vld [tilespmem:s25+$0xFFFFFFB0]  }
0xc4: {  	v45 =	vadd.f32 v51, v45;
	v47 =	vmin.f32 v39, v47;
	v38 =	vadd.f32 v32, v38;
	v24 =	vld [tilespmem:s25+$0xFFFFFFC0]  }
0xc5: {  	v43 =	vmul.f32 v43, v43;
	v23 =	vadd.f32 v29, v23;
	v44 =	vadd.f32 v44, v31;
	v34 =	vld [tilespmem:s13+$0xFFFFFFF0]  }
0xc6: {  	v49 =	vor.u32 s15, v2;
	v29 =	vmin.f32 v36, v28;
	v36 =	vor.u32 s7, v2;
	v31 =	vld [tilespmem:s13+$0xFFFFFFE0]  }
0xc7: {  	v33 =	vmul.f32 v33, v33;
	v39 =	vmin.f32 v27, v45;
	v27 =	vadd.f32 v41, v43;
	v32 =	vld [tilespmem:s13+$0xFFFFFFD0]  }
0xc8: {  	s15 =	sadd.s32 $0xFFFFFFF0, s7;
	v40 =	vmin.f32 v40, v23;
	s7 =	smov.u32 s12;
	v41 =	vadd.f32 v46, v38;
	vm5 =	vgt.f32 v39, v53;
	v28 =	vld [tilespmem:s9+$0xFFFFFFA0]  }
0xc9: {  	v27 =	vadd.f32 v33, v27;
	v23 =	vmin.f32 v42, v44;
	v33 =	vor.u32 s15, v2;
	v43 =	vld [tilespmem:s10+$0x10]  }
0xca: {  	v45 =	vsel vm5, v39, v53;
	v42 =	vmin.f32 v26, v41;
	v26 =	vsel vm4, v33, v37;
	v38 =	vld [tilespmem:s13+$0xFFFFFFC0]  }
.Ltmp5:
0xcb: {  	v33 =	vor.u32 s14, v2;
	vm4 =	vgt.f32 v40, v45;
	v26 =	vsel vm6, v36, v26;
	v41 =	vld [tilespmem:s9+$0xFFFFFFB0];
	(pc) =	sbr.rel @p1 .LBB2_6-.Ltmp5, $4  }
0xcc: {  	v27 =	vmin.f32 v35, v27;
	v26 =	vsel vm5, v33, v26;
	v33 =	vsel vm4, v40, v45;
	v44 =	vld [tilespmem:s9+$0xFFFFFFE0]  }
0xcd: {  	v35 =	vor.u32 s11, v2;
	v26 =	vsel vm4, v49, v26;
	vm4 =	vgt.f32 v47, v33;
	[tilespmem:s10+$0x0] =	vst v42  }
0xce: {  	s12 =	sadd.s32 $0xFFFFFFE0, s7;
	v36 =	vsel vm4, v47, v33;
	v35 =	vsel vm4, v35, v26;
	[tilespmem:s10+$0xFFFFFFE0] =	vst v47;
	v43 =	vmin.f32 v43, v48  }
0xcf: {  	v37 =	vor.u32 s12, v2;
	s11 =	sadd.s32 $0xFFFFFFD0, s7;
	vm4 =	vgt.f32 v29, v36;
	s9 =	sadd.s32 $0x80, s9;
	s10 =	sadd.s32 $0x80, s10;
	[tilespmem:s0+$0x10] =	vst v43  }
0xd0: {  	v5 =	vsel vm4, v29, v36  }
0xd1: {  	vm5 =	vgt.f32 v42, v5  }
0xd2: {  	v5 =	vsel vm5, v42, v5  }
0xd3: {  	vm6 =	vgt.f32 v43, v5  }
0xd4: {  	v5 =	vsel vm6, v43, v5  }
0xd5: {  	vm7 =	vgt.f32 v27, v5  }
0xd6: {  	v5 =	vsel vm7, v27, v5  }
0xd7: {  	vm8 =	vgt.f32 v23, v5  }
0xd8: {  	v6 =	vsel vm8, v23, v5  }
0xd9: {  	(xrf0) =	vmax.scan.msk.f32 $0xffff, v6;
	_ =	sdelay $0x1  }
0xda: {  	v7 =	vor.u32 s11, v2;
	v5 =	vsel vm4, v30, v35  }
0xdb: {  	v5 =	vsel vm5, v7, v5;
	_ =	sdelay $0x1  }
0xdc: {  	s8 =	sadd.s32 $0xFFFFFFF0, s7  }
0xdd: {  	v8 =	vor.u32 s8, v2;
	v7 =	vsel vm6, v37, v5;
	v5, _, _ =	vpop (xrf0)  }
0xde: {  	v9 =	vor.u32 s7, v2;
	v7 =	vsel vm7, v8, v7;
	v10 =	vbroadcast v5, $0xF  }
0xdf: {  	v7 =	vsel vm8, v9, v7  }
0xe0: {  	vm4 =	veq.f32 v6, v10;
	v6 =	vxor.u32 $0x80000000, v7  }
0xe1: {  	v6 =	vnsel vm4, $0xFFFFFFFF, v6  }
0xe2: {  	(xrf0) =	vmin.scan.msk.u32 $0xffff, v6;
	_ =	sdelay $0x5  }
0xe3: {  	v6, _, _ =	vpop (xrf0)  }
0xe4: {  	(v2sf) =	vpush v6, $0xF;
	_ =	sdelay $0x7  }
0xe5: {  	[tilespmem:s0+$0x30] =	vst v23  }
0xe6: {  	[tilespmem:s0+$0xFFFFFFC0] =	vst v39  }
0xe7: {  	[tilespmem:s0+$0xFFFFFFD0] =	vst v40  }
0xe8: {  	[tilespmem:s0+$0x20] =	vst v27  }
0xe9: {  	[tilespmem:s0+$0xFFFFFFF0] =	vst v29  }
0xea: {  	v6 =	vld.idx.msk [tilespmem:v7+s2+$0x0], $0xffff  }
0xeb: {  	v8 =	vld.idx.msk [tilespmem:v7+s18+$0x0], $0xffff  }
0xec: {  	v9 =	vld.idx.msk [tilespmem:v7+s19+$0x0], $0xffff;
	s14 =	spop (v2sf)  }
0xed: {  	s0 =	sxor.u32 $0x80000000, s14  }
0xee: {  	vm4 =	veq.s32 v7, s0  }
0xef: {  	v6 =	vnsel vm4, $0xFF7FC99E, v6  }
0xf0: {  	(xrf0) =	vmax.scan.msk.f32 $0xffff, v6;
	v6 =	vnsel vm4, $0xFF7FC99E, v8  }
0xf1: {  	(xrf0) =	vmax.scan.msk.f32 $0xffff, v6;
	v6 =	vnsel vm4, $0xFF7FC99E, v9  }
0xf2: {  	(xrf0) =	vmax.scan.msk.f32 $0xffff, v6;
	_ =	sdelay $0x3  }
0xf3: {  	v6, _, _ =	vpop (xrf0)  }
0xf4: {  	v7, _, _ =	vpop (xrf0)  }
0xf5: {  	v8, _, _ =	vpop (xrf0)  }
0xf6: {  	s0 =	sadd.s32 s6, s0;
	v9 =	vbroadcast v7, $0xF;
	v11 =	vbroadcast v8, $0xF  }
0xf7: {  	v12 =	vmov s0;
	v13 =	vbroadcast v6, $0xF  }
0xf8: {  	v12 =	vbroadcast v12, $0x0;
	v9 =	vsel vm0, v11, v9  }
0xf9: {  	s15 =	sshll.u32 s30, $0x8;
	v9 =	vsel vm1, v9, v13  }
0xfa: {  	s7 =	sand.u32 $0x100, s15;
	v9 =	vsel vm2, v9, v12  }
0xfb: {  	s16 =	sshrl.u32 s4, $0x2;
	s7 =	sadd.s32 s7, s1;
	v9 =	vsel vm3, v9, v10  }
0xfc: {  	s8 =	sadd.s32 s16, s7;
	[tilespmem:$0x8400] =	vst v9  }
0xfd: {  	[spmem:s8] =	stream.linear.scatter [tilespmem:s20], [sflag:$0x3], $0x10, $0x38;
	[tilespmem:$0x8520] =	vst v63  }
0xfe: {  	_ =	swait.ge [sflag:s21], $0x10  }
0xff: {  	[sflag:s21] =	ssyncset.done $0x0  }
0x100: {  	[sflag:s21] =	ssyncadd.s32 $0xFFFFFFF0  }
0x101: {  	s25 =	sshll.u32 s5, $0x10;
	[sflag:s17] =	ssyncset.done $0x0  }
0x102: {  	[smem:s25], [sflag:$0x1] =	smem.add.s32 $0x1  }
0x103: {  	_ =	swait.done [sflag:s17]  }
0x104: {  	[sflag:s17] =	ssyncset.s32 $0x0  }
0x105: {  	s8 =	sadd.s32 s29, s30;
	[sflag:s17] =	ssyncset.done $0x0  }
.LBB2_8:
0x106: {  	[sflag:s22] =	ssyncset.done $0x0;
	s9 =	sshll.u32 s3, $0x10  }
0x107: {  	[smem:s9], [sflag:$0x2] =	smem.add.s32 $0x0  }
0x108: {  	_ =	swait.done [sflag:s22]  }
0x109: {  	s25 =	ssyncread [sflag:$0x2];
	_ =	sdelay $0x2  }
0x10a: {  	p1 =	sle.s32 s25, s8  }
.Ltmp6:
0x10b: {  	_ = 	snop;
	(pc) =	sbr.rel @p1 .LBB2_8-.Ltmp6, $3  }
0x10c: {  	_ =	sdelay $0x1  }
0x10d: {  	[sflag:s22] =	ssyncset.s32 $0x0  }
0x10e: {  	[sflag:s22] =	ssyncset.done $0x0  }
0x10f: {  	(v2sf) =	vpush v5, $0xF  }
0x110: {  	(v2sf) =	vpush v6, $0xF  }
0x111: {  	(v2sf) =	vpush v7, $0xF  }
0x112: {  	(v2sf) =	vpush v8, $0xF;
	_ =	sdelay $0x9  }
0x113: {  	s7 =	sadd.s32 s23, s7  }
0x114: {  	[tilespmem:s24], [sflag:$0x3] =	stream.linear.gather [spmem:s7], $0x10, $0x38;
	[tilespmem:$0x8520] =	vst v63  }
0x115: {  	s8 =	spop (v2sf)  }
0x116: {  	s9 =	spop (v2sf)  }
0x117: {  	s10 =	spop (v2sf)  }
0x118: {  	s11 =	spop (v2sf)  }
0x119: {  	_ =	swait.ge [sflag:s21], $0x10  }
0x11a: {  	[sflag:s21] =	ssyncset.done $0x0  }
0x11b: {  	[sflag:s21] =	ssyncadd.s32 $0xFFFFFFF0  }
0x11c: {  	v5 =	vld [tilespmem:$0x8480];
	_ =	sdelay $0x4  }
0x11d: {  	(v2sf) =	vpush v5, $0x0  }
0x11e: {  	(v2sf) =	vpush v5, $0x1;
	_ =	sdelay $0x2  }
0x11f: {  	(v2sf) =	vpush v5, $0x2  }
0x120: {  	(v2sf) =	vpush v5, $0x3  }
0x121: {  	(v2sf) =	vpush v5, $0x4;
	_ =	sdelay $0x8  }
0x122: {  	s25 =	spop (v2sf)  }
0x123: {  	s12 =	spop (v2sf);
	p1 =	seq.f32 s25, s8  }
0x124: {  	p2 =	slt.s32 s12, s0  }
0x125: {  	p3 =	sgt.f32 s25, s8;
	p1 =	por !p1, !p2  }
0x126: {  	s7 =	spop (v2sf);
	p1 =	por !p1, !p1  }
0x127: {  	v5 =	vmov s30;
	s30 =	sadd.s32 $0x1, s30;
	s8 =	spop (v2sf);
	p1 =	por p3, p1  }
0x128: {  	s0 =	smov.u32 @p1 s12;
	s9 =	smov.u32 @p1 s7;
	s7 =	spop (v2sf)  }
0x129: {  	s10 =	smov.u32 @p1 s8;
	s11 =	smov.u32 @p1 s7;
	p1 =	sne.s32 s30, $0x10  }
.Ltmp7:
0x12a: {  	_ = 	snop;
	(pc) =	sbr.rel @p1 .LBB2_5-.Ltmp7, $4  }
0x12b: {  	_ = 	snop  }
0x12c: {  	vm4 =	veq.s32 v5, v2  }
0x12d: {  	v3 =	vsel vm4, s31, v3  }
0x12e: {  	v5 =	vmov s9;
	v6 =	vmov s10;
	s31 =	smov.u32 s0;
	v7 =	vmov s11  }
.Ltmp8:
0x12f: {  	(pc) =	sbr.rel @p0 .LBB2_15-.Ltmp8, $2  }
0x130: {  	_ =	sdelay $0x2  }
0x131: {  	s7 =	sadd.s32 $0x1, s28  }
0x132: {  	s28 =	sadd.s32 $0x1, s28  }
0x133: {  	p1 =	seq.s32 s28, $0x20  }
.Ltmp9:
0x134: {  	_ = 	snop;
	(pc) =	sbr.rel @!p1 .LBB2_4-.Ltmp9, $3  }
0x135: {  	_ =	sdelay $0x1  }
0x136: {  	s7 =	sand.u32 $0x3FFFFFF0, s29  }
0x137: {  	[tilespmem:s7+$0x8200] =	vst v3  }
0x138: {  	s0 =	rddreg [dreg:$0xa];
	s7 =	simm.s32 $0x80  }
.Ltmp10:
0x139: {  	s8 =	simm.s32 $0x400;
	s9 =	simm.s32 $0x8200;
	(pc) =	sbr.rel .LBB2_13-.Ltmp10, $4  }
0x13a: {  	[hbm4b:s0+s7] =	stream.strided.scatter [tilespmem:s9], [sflag:$0x1], $0x200, s8, s7, $0x38;
	[tilespmem:$0x8520] =	vst v63  }
0x13b: {  	_ =	swait.ge [sflag:s17], $0x200  }
0x13c: {  	[sflag:s17] =	ssyncset.done $0x0  }
0x13d: {  	[sflag:s17] =	ssyncadd.s32 $0xFFFFFE00  }
.LBB2_14:
0x13e: {  	_ =	sfence.sel $0x180000  }
0x13f: {  	[bflag:$0x0] =	sbarrier.arrive $0xFFFF  }
0x140: {  	_ =	strace $0x90000047  }
0x141: {  	[bflag:$0x2] =	sbarrier.arrive $0xFFFF  }
0x142: {  	p0 =	sne.s32 s3, $0x0;
	s0 =	rddreg [dreg:$0x3]  }
0x143: {  	s0 =	sadd.s32 @!p0 $0x100000, s0  }
0x144: {  	[sflag:s0] =	ssyncadd.tile.s32 @!p0 $0x1;
	_ =	shalt  }
.Lfunc_end2:
_tile_overlayer_lowered:
.L_overlay_start_2:
0x145: {  	(tag) =	ssettag $0x2  }
0x146: {  	s0 =	rddreg [dreg:$0x0];
	s2 =	stileid.u32  }
0x147: {  	s1 =	rddreg [dreg:$0x1];
	p0 =	sne.s32 s2, $0x0  }
0x148: {  	s3 =	rddreg [dreg:$0x2];
	[bflag:$0x3] =	sbarrier.arrive $0xFFFF;
	s2 =	simm.s32 @!p0 $0x1C01  }
0x149: {  	[timem:s3], [sflag:s2] =	dma.local @!p0 [hbm:s0], s1  }
0x14a: {  	s0 =	simm.s32 @!p0 $0x1  }
0x14b: {  	_ =	swait.ge @!p0 [sflag:s0], s1  }
0x14c: {  	s1 =	ssub.s32 @!p0 $0x0, s1;
	[sflag:s0] =	ssyncset.done @!p0 $0x0  }
0x14d: {  	[sflag:s0] =	ssyncadd.s32 @!p0 s1  }
0x14e: {  	[bflag:$0x3] =	sbarrier.arrive $0xFFFF  }
0x14f: {  	_ =	shalt  }

</sc_bundles>
